<compile_context>
chip_gen: v7x
topology: tpu7x:2x2x1
jax: 0.10.2.dev20260603
libtpu: 0.0.44.dev20260713+nightly
codegen_flags: <defaults>
</compile_context>

<pallas_src>
import jax
import jax.numpy as jnp
from jax import lax
from jax.experimental import pallas as pl
from jax.experimental.pallas import tpu as pltpu
from jax.experimental.pallas import tpu_sc as plsc

NC = 2
NS = 16
NW = NC * NS

B = 16384
D = 128
CHUNK = 128
B_PER_W = B // NW
NCHUNK = B_PER_W // CHUNK
NSLOT = 3


def _gather_body(pos_hbm, cos_hbm, sin_hbm, cos_out, sin_out,
                 idx_v, cos_buf, sin_buf, *sems):
    sem_gc = sems[0:NSLOT]
    sem_gs = sems[NSLOT:2 * NSLOT]
    sem_wc = sems[2 * NSLOT:3 * NSLOT]
    sem_ws = sems[3 * NSLOT:4 * NSLOT]
    sem_ix = sems[4 * NSLOT:4 * NSLOT + NCHUNK]

    wid = lax.axis_index("s") * NC + lax.axis_index("c")
    row = wid // (4096 // B_PER_W)
    col = (wid % (4096 // B_PER_W)) * B_PER_W
    ix = {}
    for c in range(NCHUNK):
        ix[c] = pltpu.async_copy(pos_hbm.at[row, pl.ds(col + c * CHUNK, CHUNK)],
                                 idx_v.at[pl.ds(c * CHUNK, CHUNK)], sem_ix[c])

    gc, gs, wc, ws = {}, {}, {}, {}

    def issue_gather(c):
        s = c % NSLOT
        ix[c].wait()
        idx = idx_v.at[pl.ds(c * CHUNK, CHUNK)]
        gc[c] = pltpu.async_copy(cos_hbm.at[idx], cos_buf.at[s], sem_gc[s])
        gs[c] = pltpu.async_copy(sin_hbm.at[idx], sin_buf.at[s], sem_gs[s])

    for c in range(min(NSLOT, NCHUNK)):
        issue_gather(c)
    for c in range(NCHUNK):
        s = c % NSLOT
        gc[c].wait()
        gs[c].wait()
        base = wid * B_PER_W + c * CHUNK
        wc[c] = pltpu.async_copy(cos_buf.at[s], cos_out.at[pl.ds(base, CHUNK)], sem_wc[s])
        ws[c] = pltpu.async_copy(sin_buf.at[s], sin_out.at[pl.ds(base, CHUNK)], sem_ws[s])
        nxt = c + NSLOT
        if nxt < NCHUNK:
            wc[c].wait()
            ws[c].wait()
            issue_gather(nxt)
    for c in range(max(0, NCHUNK - NSLOT), NCHUNK):
        wc[c].wait()
        ws[c].wait()


@jax.jit
def _rope_gather(pos, cos_cached, sin_cached):
    mesh = plsc.VectorSubcoreMesh(core_axis_name="c", subcore_axis_name="s")
    out_type = (
        jax.ShapeDtypeStruct((B, D), jnp.float32),
        jax.ShapeDtypeStruct((B, D), jnp.float32),
    )
    scratch = [
        pltpu.VMEM((B_PER_W,), jnp.int32),
        pltpu.VMEM((NSLOT, CHUNK, D), jnp.float32),
        pltpu.VMEM((NSLOT, CHUNK, D), jnp.float32),
    ] + [pltpu.SemaphoreType.DMA] * (4 * NSLOT + NCHUNK)
    return pl.kernel(
        _gather_body,
        out_type=out_type,
        mesh=mesh,
        scratch_types=scratch,
    )(pos, cos_cached, sin_cached)


def kernel(x, position_ids, cos_cached, sin_cached):
    cos_flat, sin_flat = _rope_gather(position_ids, cos_cached, sin_cached)
    shape = position_ids.shape + (D,)
    return (cos_flat.reshape(shape).astype(x.dtype),
            sin_flat.reshape(shape).astype(x.dtype))

# --- scband reference (transcript-rebuilt; emitter-appended) ---
"""Pipeline reference for scband-mini-max-m2-rotary-embedding-8916352106886 (READ-ONLY COPY).

The authoritative reference and input builder live on the scoring server;
editing this copy changes nothing except your own understanding.
"""

import jax, jax.numpy as jnp
import numpy as np

DIM = 128
MAX_POS = 65536
BASE = 10000.0


def setup_inputs(seed: int = 0) -> dict:
    key = jax.random.key(seed)
    k1, k2 = jax.random.split(key)
    x = jax.random.normal(k1, (4, 4096, 2048), dtype=jnp.float32)
    position_ids = jax.random.randint(k2, (4, 4096), 0, MAX_POS, dtype=jnp.int32)
    # Precomputed (non-learned) RoPE buffers, built exactly like the torch __init__
    inv_freq = 1.0 / (BASE ** (jnp.arange(0, DIM, 2, dtype=jnp.float32) / DIM))
    t = jnp.arange(MAX_POS, dtype=jnp.float32)
    freqs = jnp.outer(t, inv_freq)
    emb = jnp.concatenate([freqs, freqs], axis=-1)
    cos_cached = jnp.cos(emb)
    sin_cached = jnp.sin(emb)
    return {"x": x, "position_ids": position_ids, "cos_cached": cos_cached, "sin_cached": sin_cached}


def reference(x, position_ids, cos_cached, sin_cached):
    cos = jnp.take(cos_cached, position_ids, axis=0).astype(x.dtype)
    sin = jnp.take(sin_cached, position_ids, axis=0).astype(x.dtype)
    return (cos, sin)

if __name__ == "__main__":
    import jax
    _d = setup_inputs()
    print(jax.jit(kernel)(*tuple(_d.values())))

</pallas_src>

<mosaic_0001>
#map = affine_map<(d0, d1) -> (0, 0)>
module attributes {stable_mosaic.version = 14 : i64} {
  func.func @_gather_body(%arg0: i32, %arg1: i32, %arg2: memref<4x4096xi32, #tpu.memory_space<hbm>>, %arg3: memref<65536x128xf32, #tpu.memory_space<hbm>>, %arg4: memref<65536x128xf32, #tpu.memory_space<hbm>>, %arg5: memref<16384x128xf32, #tpu.memory_space<hbm>>, %arg6: memref<16384x128xf32, #tpu.memory_space<hbm>>, %arg7: memref<512xi32, #tpu.memory_space<vmem>>, %arg8: memref<3x128x128xf32, #tpu.memory_space<vmem>>, %arg9: memref<3x128x128xf32, #tpu.memory_space<vmem>>, %arg10: memref<!tpu.dma_semaphore, #tpu.memory_space<semaphore_mem>>, %arg11: memref<!tpu.dma_semaphore, #tpu.memory_space<semaphore_mem>>, %arg12: memref<!tpu.dma_semaphore, #tpu.memory_space<semaphore_mem>>, %arg13: memref<!tpu.dma_semaphore, #tpu.memory_space<semaphore_mem>>, %arg14: memref<!tpu.dma_semaphore, #tpu.memory_space<semaphore_mem>>, %arg15: memref<!tpu.dma_semaphore, #tpu.memory_space<semaphore_mem>>, %arg16: memref<!tpu.dma_semaphore, #tpu.memory_space<semaphore_mem>>, %arg17: memref<!tpu.dma_semaphore, #tpu.memory_space<semaphore_mem>>, %arg18: memref<!tpu.dma_semaphore, #tpu.memory_space<semaphore_mem>>, %arg19: memref<!tpu.dma_semaphore, #tpu.memory_space<semaphore_mem>>, %arg20: memref<!tpu.dma_semaphore, #tpu.memory_space<semaphore_mem>>, %arg21: memref<!tpu.dma_semaphore, #tpu.memory_space<semaphore_mem>>, %arg22: memref<!tpu.dma_semaphore, #tpu.memory_space<semaphore_mem>>, %arg23: memref<!tpu.dma_semaphore, #tpu.memory_space<semaphore_mem>>, %arg24: memref<!tpu.dma_semaphore, #tpu.memory_space<semaphore_mem>>, %arg25: memref<!tpu.dma_semaphore, #tpu.memory_space<semaphore_mem>>) attributes {dimension_semantics = [#tpu.dimension_semantics<core_parallel>, #tpu.dimension_semantics<subcore_parallel>], iteration_bounds = array<i64: 2, 16>, scalar_prefetch = 0 : i64, scratch_operands = 19 : i64, tpu.core_type = #tpu.core_type<sc_vector_subcore>, window_params = [{transform_indices = #map}, {transform_indices = #map}, {transform_indices = #map}, {transform_indices = #map}, {transform_indices = #map}]} {
    %mul3A = arith.constant 2 : i32
    %mul3A_0 = arith.muli %arg1, %mul3A : i32
    %add3A = arith.addi %mul3A_0, %arg0 : i32
    %jit3A = arith.constant 8 : i32
    %div3A = arith.divsi %add3A, %jit3A : i32
    %sign3A = arith.constant 0 : i32
    %sign3A_1 = arith.cmpi sgt, %add3A, %sign3A : i32
    %sign3A_2 = arith.extui %sign3A_1 : i1 to i32
    %sign3A_3 = arith.constant 0 : i32
    %sign3A_4 = arith.cmpi slt, %add3A, %sign3A_3 : i32
    %sign3A_5 = arith.extui %sign3A_4 : i1 to i32
    %sign3A_6 = arith.subi %sign3A_2, %sign3A_5 : i32
    %sign3A_7 = arith.constant 0 : i32
    %sign3A_8 = arith.cmpi sgt, %jit3A, %sign3A_7 : i32
    %sign3A_9 = arith.extui %sign3A_8 : i1 to i32
    %sign3A_10 = arith.constant 0 : i32
    %sign3A_11 = arith.cmpi slt, %jit3A, %sign3A_10 : i32
    %sign3A_12 = arith.extui %sign3A_11 : i1 to i32
    %sign3A_13 = arith.subi %sign3A_9, %sign3A_12 : i32
    %ne3A = arith.cmpi ne, %sign3A_6, %sign3A_13 : i32
    %rem3A = arith.remsi %add3A, %jit3A : i32
    %ne3A_14 = arith.constant 0 : i32
    %ne3A_15 = arith.cmpi ne, %rem3A, %ne3A_14 : i32
    %and3A = arith.andi %ne3A, %ne3A_15 : i1
    %sub3A = arith.constant 1 : i32
    %sub3A_16 = arith.subi %div3A, %sub3A : i32
    %select_n3A = arith.select %and3A, %sub3A_16, %div3A : i32
    %jit3A_17 = arith.constant 8 : i32
    %eq3A = arith.constant 0 : i32
    %eq3A_18 = arith.cmpi eq, %jit3A_17, %eq3A : i32
    %jit3A_19 = arith.constant 1 : i32
    %select_n3A_20 = arith.select %eq3A_18, %jit3A_19, %jit3A_17 : i32
    %rem3A_21 = arith.remsi %add3A, %select_n3A_20 : i32
    %ne3A_22 = arith.constant 0 : i32
    %ne3A_23 = arith.cmpi ne, %rem3A_21, %ne3A_22 : i32
    %lt3A = arith.constant 0 : i32
    %lt3A_24 = arith.cmpi slt, %rem3A_21, %lt3A : i32
    %lt3A_25 = arith.constant 0 : i32
    %lt3A_26 = arith.cmpi slt, %select_n3A_20, %lt3A_25 : i32
    %ne3A_27 = arith.xori %lt3A_24, %lt3A_26 : i1
    %and3A_28 = arith.andi %ne3A_27, %ne3A_23 : i1
    %add3A_29 = arith.addi %rem3A_21, %select_n3A_20 : i32
    %select_n3A_30 = arith.select %and3A_28, %add3A_29, %rem3A_21 : i32
    %mul3A_31 = arith.constant 512 : i32
    %mul3A_32 = arith.muli %select_n3A_30, %mul3A_31 : i32
    %add3A_33 = arith.constant 0 : i32
    %add3A_34 = arith.addi %mul3A_32, %add3A_33 : i32
    %dma_start3A = arith.constant 0 : i32
    %dma_start3A_35 = tpu.memref_slice %arg7[%dma_start3A] : memref<512xi32, #tpu.memory_space<vmem>> -> memref<128xi32, #tpu.memory_space<vmem>>
    %dma_start3A_36 = tpu.memref_slice %arg2[%select_n3A, %add3A_34] : memref<4x4096xi32, #tpu.memory_space<hbm>> -> memref<1x128xi32, #tpu.memory_space<hbm>>
    %dma_start3A_37 = tpu.memref_squeeze %dma_start3A_36 : memref<1x128xi32, #tpu.memory_space<hbm>> -> memref<128xi32, #tpu.memory_space<hbm>>
    %dma_start3A_38 = arith.constant 0 : i32
    %dma_start3A_39 = tpu.memref_slice %arg7[%dma_start3A_38] : memref<512xi32, #tpu.memory_space<vmem>> -> memref<128xi32, #tpu.memory_space<vmem>>
    %dma_start3A_40 = tpu.memref_slice %arg2[%select_n3A, %add3A_34] : memref<4x4096xi32, #tpu.memory_space<hbm>> -> memref<1x128xi32, #tpu.memory_space<hbm>>
    %dma_start3A_41 = tpu.memref_squeeze %dma_start3A_40 : memref<1x128xi32, #tpu.memory_space<hbm>> -> memref<128xi32, #tpu.memory_space<hbm>>
    tpu.enqueue_dma source(%dma_start3A_41 : memref<128xi32, #tpu.memory_space<hbm>>) target(%dma_start3A_39 : memref<128xi32, #tpu.memory_space<vmem>>) target_semaphore(%arg22 : memref<!tpu.dma_semaphore, #tpu.memory_space<semaphore_mem>>)
    %add3A_42 = arith.constant 128 : i32
    %add3A_43 = arith.addi %mul3A_32, %add3A_42 : i32
    %dma_start3A_44 = arith.constant 128 : i32
    %dma_start3A_45 = tpu.memref_slice %arg7[%dma_start3A_44] : memref<512xi32, #tpu.memory_space<vmem>> -> memref<128xi32, #tpu.memory_space<vmem>>
    %dma_start3A_46 = tpu.memref_slice %arg2[%select_n3A, %add3A_43] : memref<4x4096xi32, #tpu.memory_space<hbm>> -> memref<1x128xi32, #tpu.memory_space<hbm>>
    %dma_start3A_47 = tpu.memref_squeeze %dma_start3A_46 : memref<1x128xi32, #tpu.memory_space<hbm>> -> memref<128xi32, #tpu.memory_space<hbm>>
    %dma_start3A_48 = arith.constant 128 : i32
    %dma_start3A_49 = tpu.memref_slice %arg7[%dma_start3A_48] : memref<512xi32, #tpu.memory_space<vmem>> -> memref<128xi32, #tpu.memory_space<vmem>>
    %dma_start3A_50 = tpu.memref_slice %arg2[%select_n3A, %add3A_43] : memref<4x4096xi32, #tpu.memory_space<hbm>> -> memref<1x128xi32, #tpu.memory_space<hbm>>
    %dma_start3A_51 = tpu.memref_squeeze %dma_start3A_50 : memref<1x128xi32, #tpu.memory_space<hbm>> -> memref<128xi32, #tpu.memory_space<hbm>>
    tpu.enqueue_dma source(%dma_start3A_51 : memref<128xi32, #tpu.memory_space<hbm>>) target(%dma_start3A_49 : memref<128xi32, #tpu.memory_space<vmem>>) target_semaphore(%arg23 : memref<!tpu.dma_semaphore, #tpu.memory_space<semaphore_mem>>)
    %add3A_52 = arith.constant 256 : i32
    %add3A_53 = arith.addi %mul3A_32, %add3A_52 : i32
    %dma_start3A_54 = arith.constant 256 : i32
    %dma_start3A_55 = tpu.memref_slice %arg7[%dma_start3A_54] : memref<512xi32, #tpu.memory_space<vmem>> -> memref<128xi32, #tpu.memory_space<vmem>>
    %dma_start3A_56 = tpu.memref_slice %arg2[%select_n3A, %add3A_53] : memref<4x4096xi32, #tpu.memory_space<hbm>> -> memref<1x128xi32, #tpu.memory_space<hbm>>
    %dma_start3A_57 = tpu.memref_squeeze %dma_start3A_56 : memref<1x128xi32, #tpu.memory_space<hbm>> -> memref<128xi32, #tpu.memory_space<hbm>>
    %dma_start3A_58 = arith.constant 256 : i32
    %dma_start3A_59 = tpu.memref_slice %arg7[%dma_start3A_58] : memref<512xi32, #tpu.memory_space<vmem>> -> memref<128xi32, #tpu.memory_space<vmem>>
    %dma_start3A_60 = tpu.memref_slice %arg2[%select_n3A, %add3A_53] : memref<4x4096xi32, #tpu.memory_space<hbm>> -> memref<1x128xi32, #tpu.memory_space<hbm>>
    %dma_start3A_61 = tpu.memref_squeeze %dma_start3A_60 : memref<1x128xi32, #tpu.memory_space<hbm>> -> memref<128xi32, #tpu.memory_space<hbm>>
    tpu.enqueue_dma source(%dma_start3A_61 : memref<128xi32, #tpu.memory_space<hbm>>) target(%dma_start3A_59 : memref<128xi32, #tpu.memory_space<vmem>>) target_semaphore(%arg24 : memref<!tpu.dma_semaphore, #tpu.memory_space<semaphore_mem>>)
    %add3A_62 = arith.constant 384 : i32
    %add3A_63 = arith.addi %mul3A_32, %add3A_62 : i32
    %dma_start3A_64 = arith.constant 384 : i32
    %dma_start3A_65 = tpu.memref_slice %arg7[%dma_start3A_64] : memref<512xi32, #tpu.memory_space<vmem>> -> memref<128xi32, #tpu.memory_space<vmem>>
    %dma_start3A_66 = tpu.memref_slice %arg2[%select_n3A, %add3A_63] : memref<4x4096xi32, #tpu.memory_space<hbm>> -> memref<1x128xi32, #tpu.memory_space<hbm>>
    %dma_start3A_67 = tpu.memref_squeeze %dma_start3A_66 : memref<1x128xi32, #tpu.memory_space<hbm>> -> memref<128xi32, #tpu.memory_space<hbm>>
    %dma_start3A_68 = arith.constant 384 : i32
    %dma_start3A_69 = tpu.memref_slice %arg7[%dma_start3A_68] : memref<512xi32, #tpu.memory_space<vmem>> -> memref<128xi32, #tpu.memory_space<vmem>>
    %dma_start3A_70 = tpu.memref_slice %arg2[%select_n3A, %add3A_63] : memref<4x4096xi32, #tpu.memory_space<hbm>> -> memref<1x128xi32, #tpu.memory_space<hbm>>
    %dma_start3A_71 = tpu.memref_squeeze %dma_start3A_70 : memref<1x128xi32, #tpu.memory_space<hbm>> -> memref<128xi32, #tpu.memory_space<hbm>>
    tpu.enqueue_dma source(%dma_start3A_71 : memref<128xi32, #tpu.memory_space<hbm>>) target(%dma_start3A_69 : memref<128xi32, #tpu.memory_space<vmem>>) target_semaphore(%arg25 : memref<!tpu.dma_semaphore, #tpu.memory_space<semaphore_mem>>)
    %dma_wait3A = arith.constant 0 : i32
    %dma_wait3A_72 = tpu.memref_slice %arg7[%dma_wait3A] : memref<512xi32, #tpu.memory_space<vmem>> -> memref<128xi32, #tpu.memory_space<vmem>>
    %dma_wait3A_73 = tpu.memref_slice %arg2[%select_n3A, %add3A_34] : memref<4x4096xi32, #tpu.memory_space<hbm>> -> memref<1x128xi32, #tpu.memory_space<hbm>>
    %dma_wait3A_74 = tpu.memref_squeeze %dma_wait3A_73 : memref<1x128xi32, #tpu.memory_space<hbm>> -> memref<128xi32, #tpu.memory_space<hbm>>
    %dma_wait3A_75 = arith.constant 0 : i32
    %dma_wait3A_76 = tpu.memref_slice %arg7[%dma_wait3A_75] : memref<512xi32, #tpu.memory_space<vmem>> -> memref<128xi32, #tpu.memory_space<vmem>>
    %dma_wait3A_77 = tpu.memref_slice %arg2[%select_n3A, %add3A_34] : memref<4x4096xi32, #tpu.memory_space<hbm>> -> memref<1x128xi32, #tpu.memory_space<hbm>>
    %dma_wait3A_78 = tpu.memref_squeeze %dma_wait3A_77 : memref<1x128xi32, #tpu.memory_space<hbm>> -> memref<128xi32, #tpu.memory_space<hbm>>
    tpu.wait_dma2 semaphore(%arg22 : memref<!tpu.dma_semaphore, #tpu.memory_space<semaphore_mem>>) src(%dma_wait3A_78 : memref<128xi32, #tpu.memory_space<hbm>>) dst(%dma_wait3A_76 : memref<128xi32, #tpu.memory_space<vmem>>)
    %dma_start3A_79 = arith.constant 0 : i32
    %dma_start3A_80 = arith.constant 0 : i32
    %dma_start3A_81 = arith.constant 0 : i32
    %dma_start3A_82 = tpu.memref_slice %arg8[%dma_start3A_79, %dma_start3A_80, %dma_start3A_81] : memref<3x128x128xf32, #tpu.memory_space<vmem>> -> memref<1x128x128xf32, #tpu.memory_space<vmem>>
    %dma_start3A_83 = tpu.memref_squeeze %dma_start3A_82 : memref<1x128x128xf32, #tpu.memory_space<vmem>> -> memref<128x128xf32, #tpu.memory_space<vmem>>
    %dma_start3A_84 = arith.constant 0 : i32
    %dma_start3A_85 = tpu.memref_slice %arg7[%dma_start3A_84] : memref<512xi32, #tpu.memory_space<vmem>> -> memref<128xi32, #tpu.memory_space<vmem>>
    %dma_start3A_86 = arith.constant 0 : i32
    %dma_start3A_87 = arith.constant 0 : i32
    %dma_start3A_88 = tpu.memref_slice %arg3[%dma_start3A_86, %dma_start3A_87] : memref<65536x128xf32, #tpu.memory_space<hbm>> -> memref<65536x128xf32, #tpu.memory_space<hbm>>
    tpu.enqueue_indirect_dma source(%dma_start3A_88 : memref<65536x128xf32, #tpu.memory_space<hbm>>) target(%dma_start3A_83 : memref<128x128xf32, #tpu.memory_space<vmem>>) offsets(%dma_start3A_85 : memref<128xi32, #tpu.memory_space<vmem>>) semaphore(%arg10 : memref<!tpu.dma_semaphore, #tpu.memory_space<semaphore_mem>>)
    %dma_start3A_89 = arith.constant 0 : i32
    %dma_start3A_90 = arith.constant 0 : i32
    %dma_start3A_91 = arith.constant 0 : i32
    %dma_start3A_92 = tpu.memref_slice %arg9[%dma_start3A_89, %dma_start3A_90, %dma_start3A_91] : memref<3x128x128xf32, #tpu.memory_space<vmem>> -> memref<1x128x128xf32, #tpu.memory_space<vmem>>
    %dma_start3A_93 = tpu.memref_squeeze %dma_start3A_92 : memref<1x128x128xf32, #tpu.memory_space<vmem>> -> memref<128x128xf32, #tpu.memory_space<vmem>>
    %dma_start3A_94 = arith.constant 0 : i32
    %dma_start3A_95 = tpu.memref_slice %arg7[%dma_start3A_94] : memref<512xi32, #tpu.memory_space<vmem>> -> memref<128xi32, #tpu.memory_space<vmem>>
    %dma_start3A_96 = arith.constant 0 : i32
    %dma_start3A_97 = arith.constant 0 : i32
    %dma_start3A_98 = tpu.memref_slice %arg4[%dma_start3A_96, %dma_start3A_97] : memref<65536x128xf32, #tpu.memory_space<hbm>> -> memref<65536x128xf32, #tpu.memory_space<hbm>>
    tpu.enqueue_indirect_dma source(%dma_start3A_98 : memref<65536x128xf32, #tpu.memory_space<hbm>>) target(%dma_start3A_93 : memref<128x128xf32, #tpu.memory_space<vmem>>) offsets(%dma_start3A_95 : memref<128xi32, #tpu.memory_space<vmem>>) semaphore(%arg13 : memref<!tpu.dma_semaphore, #tpu.memory_space<semaphore_mem>>)
    %dma_wait3A_99 = arith.constant 128 : i32
    %dma_wait3A_100 = tpu.memref_slice %arg7[%dma_wait3A_99] : memref<512xi32, #tpu.memory_space<vmem>> -> memref<128xi32, #tpu.memory_space<vmem>>
    %dma_wait3A_101 = tpu.memref_slice %arg2[%select_n3A, %add3A_43] : memref<4x4096xi32, #tpu.memory_space<hbm>> -> memref<1x128xi32, #tpu.memory_space<hbm>>
    %dma_wait3A_102 = tpu.memref_squeeze %dma_wait3A_101 : memref<1x128xi32, #tpu.memory_space<hbm>> -> memref<128xi32, #tpu.memory_space<hbm>>
    %dma_wait3A_103 = arith.constant 128 : i32
    %dma_wait3A_104 = tpu.memref_slice %arg7[%dma_wait3A_103] : memref<512xi32, #tpu.memory_space<vmem>> -> memref<128xi32, #tpu.memory_space<vmem>>
    %dma_wait3A_105 = tpu.memref_slice %arg2[%select_n3A, %add3A_43] : memref<4x4096xi32, #tpu.memory_space<hbm>> -> memref<1x128xi32, #tpu.memory_space<hbm>>
    %dma_wait3A_106 = tpu.memref_squeeze %dma_wait3A_105 : memref<1x128xi32, #tpu.memory_space<hbm>> -> memref<128xi32, #tpu.memory_space<hbm>>
    tpu.wait_dma2 semaphore(%arg23 : memref<!tpu.dma_semaphore, #tpu.memory_space<semaphore_mem>>) src(%dma_wait3A_106 : memref<128xi32, #tpu.memory_space<hbm>>) dst(%dma_wait3A_104 : memref<128xi32, #tpu.memory_space<vmem>>)
    %dma_start3A_107 = arith.constant 1 : i32
    %dma_start3A_108 = arith.constant 0 : i32
    %dma_start3A_109 = arith.constant 0 : i32
    %dma_start3A_110 = tpu.memref_slice %arg8[%dma_start3A_107, %dma_start3A_108, %dma_start3A_109] : memref<3x128x128xf32, #tpu.memory_space<vmem>> -> memref<1x128x128xf32, #tpu.memory_space<vmem>>
    %dma_start3A_111 = tpu.memref_squeeze %dma_start3A_110 : memref<1x128x128xf32, #tpu.memory_space<vmem>> -> memref<128x128xf32, #tpu.memory_space<vmem>>
    %dma_start3A_112 = arith.constant 128 : i32
    %dma_start3A_113 = tpu.memref_slice %arg7[%dma_start3A_112] : memref<512xi32, #tpu.memory_space<vmem>> -> memref<128xi32, #tpu.memory_space<vmem>>
    %dma_start3A_114 = arith.constant 0 : i32
    %dma_start3A_115 = arith.constant 0 : i32
    %dma_start3A_116 = tpu.memref_slice %arg3[%dma_start3A_114, %dma_start3A_115] : memref<65536x128xf32, #tpu.memory_space<hbm>> -> memref<65536x128xf32, #tpu.memory_space<hbm>>
    tpu.enqueue_indirect_dma source(%dma_start3A_116 : memref<65536x128xf32, #tpu.memory_space<hbm>>) target(%dma_start3A_111 : memref<128x128xf32, #tpu.memory_space<vmem>>) offsets(%dma_start3A_113 : memref<128xi32, #tpu.memory_space<vmem>>) semaphore(%arg11 : memref<!tpu.dma_semaphore, #tpu.memory_space<semaphore_mem>>)
    %dma_start3A_117 = arith.constant 1 : i32
    %dma_start3A_118 = arith.constant 0 : i32
    %dma_start3A_119 = arith.constant 0 : i32
    %dma_start3A_120 = tpu.memref_slice %arg9[%dma_start3A_117, %dma_start3A_118, %dma_start3A_119] : memref<3x128x128xf32, #tpu.memory_space<vmem>> -> memref<1x128x128xf32, #tpu.memory_space<vmem>>
    %dma_start3A_121 = tpu.memref_squeeze %dma_start3A_120 : memref<1x128x128xf32, #tpu.memory_space<vmem>> -> memref<128x128xf32, #tpu.memory_space<vmem>>
    %dma_start3A_122 = arith.constant 128 : i32
    %dma_start3A_123 = tpu.memref_slice %arg7[%dma_start3A_122] : memref<512xi32, #tpu.memory_space<vmem>> -> memref<128xi32, #tpu.memory_space<vmem>>
    %dma_start3A_124 = arith.constant 0 : i32
    %dma_start3A_125 = arith.constant 0 : i32
    %dma_start3A_126 = tpu.memref_slice %arg4[%dma_start3A_124, %dma_start3A_125] : memref<65536x128xf32, #tpu.memory_space<hbm>> -> memref<65536x128xf32, #tpu.memory_space<hbm>>
    tpu.enqueue_indirect_dma source(%dma_start3A_126 : memref<65536x128xf32, #tpu.memory_space<hbm>>) target(%dma_start3A_121 : memref<128x128xf32, #tpu.memory_space<vmem>>) offsets(%dma_start3A_123 : memref<128xi32, #tpu.memory_space<vmem>>) semaphore(%arg14 : memref<!tpu.dma_semaphore, #tpu.memory_space<semaphore_mem>>)
    %dma_wait3A_127 = arith.constant 256 : i32
    %dma_wait3A_128 = tpu.memref_slice %arg7[%dma_wait3A_127] : memref<512xi32, #tpu.memory_space<vmem>> -> memref<128xi32, #tpu.memory_space<vmem>>
    %dma_wait3A_129 = tpu.memref_slice %arg2[%select_n3A, %add3A_53] : memref<4x4096xi32, #tpu.memory_space<hbm>> -> memref<1x128xi32, #tpu.memory_space<hbm>>
    %dma_wait3A_130 = tpu.memref_squeeze %dma_wait3A_129 : memref<1x128xi32, #tpu.memory_space<hbm>> -> memref<128xi32, #tpu.memory_space<hbm>>
    %dma_wait3A_131 = arith.constant 256 : i32
    %dma_wait3A_132 = tpu.memref_slice %arg7[%dma_wait3A_131] : memref<512xi32, #tpu.memory_space<vmem>> -> memref<128xi32, #tpu.memory_space<vmem>>
    %dma_wait3A_133 = tpu.memref_slice %arg2[%select_n3A, %add3A_53] : memref<4x4096xi32, #tpu.memory_space<hbm>> -> memref<1x128xi32, #tpu.memory_space<hbm>>
    %dma_wait3A_134 = tpu.memref_squeeze %dma_wait3A_133 : memref<1x128xi32, #tpu.memory_space<hbm>> -> memref<128xi32, #tpu.memory_space<hbm>>
    tpu.wait_dma2 semaphore(%arg24 : memref<!tpu.dma_semaphore, #tpu.memory_space<semaphore_mem>>) src(%dma_wait3A_134 : memref<128xi32, #tpu.memory_space<hbm>>) dst(%dma_wait3A_132 : memref<128xi32, #tpu.memory_space<vmem>>)
    %dma_start3A_135 = arith.constant 2 : i32
    %dma_start3A_136 = arith.constant 0 : i32
    %dma_start3A_137 = arith.constant 0 : i32
    %dma_start3A_138 = tpu.memref_slice %arg8[%dma_start3A_135, %dma_start3A_136, %dma_start3A_137] : memref<3x128x128xf32, #tpu.memory_space<vmem>> -> memref<1x128x128xf32, #tpu.memory_space<vmem>>
    %dma_start3A_139 = tpu.memref_squeeze %dma_start3A_138 : memref<1x128x128xf32, #tpu.memory_space<vmem>> -> memref<128x128xf32, #tpu.memory_space<vmem>>
    %dma_start3A_140 = arith.constant 256 : i32
    %dma_start3A_141 = tpu.memref_slice %arg7[%dma_start3A_140] : memref<512xi32, #tpu.memory_space<vmem>> -> memref<128xi32, #tpu.memory_space<vmem>>
    %dma_start3A_142 = arith.constant 0 : i32
    %dma_start3A_143 = arith.constant 0 : i32
    %dma_start3A_144 = tpu.memref_slice %arg3[%dma_start3A_142, %dma_start3A_143] : memref<65536x128xf32, #tpu.memory_space<hbm>> -> memref<65536x128xf32, #tpu.memory_space<hbm>>
    tpu.enqueue_indirect_dma source(%dma_start3A_144 : memref<65536x128xf32, #tpu.memory_space<hbm>>) target(%dma_start3A_139 : memref<128x128xf32, #tpu.memory_space<vmem>>) offsets(%dma_start3A_141 : memref<128xi32, #tpu.memory_space<vmem>>) semaphore(%arg12 : memref<!tpu.dma_semaphore, #tpu.memory_space<semaphore_mem>>)
    %dma_start3A_145 = arith.constant 2 : i32
    %dma_start3A_146 = arith.constant 0 : i32
    %dma_start3A_147 = arith.constant 0 : i32
    %dma_start3A_148 = tpu.memref_slice %arg9[%dma_start3A_145, %dma_start3A_146, %dma_start3A_147] : memref<3x128x128xf32, #tpu.memory_space<vmem>> -> memref<1x128x128xf32, #tpu.memory_space<vmem>>
    %dma_start3A_149 = tpu.memref_squeeze %dma_start3A_148 : memref<1x128x128xf32, #tpu.memory_space<vmem>> -> memref<128x128xf32, #tpu.memory_space<vmem>>
    %dma_start3A_150 = arith.constant 256 : i32
    %dma_start3A_151 = tpu.memref_slice %arg7[%dma_start3A_150] : memref<512xi32, #tpu.memory_space<vmem>> -> memref<128xi32, #tpu.memory_space<vmem>>
    %dma_start3A_152 = arith.constant 0 : i32
    %dma_start3A_153 = arith.constant 0 : i32
    %dma_start3A_154 = tpu.memref_slice %arg4[%dma_start3A_152, %dma_start3A_153] : memref<65536x128xf32, #tpu.memory_space<hbm>> -> memref<65536x128xf32, #tpu.memory_space<hbm>>
    tpu.enqueue_indirect_dma source(%dma_start3A_154 : memref<65536x128xf32, #tpu.memory_space<hbm>>) target(%dma_start3A_149 : memref<128x128xf32, #tpu.memory_space<vmem>>) offsets(%dma_start3A_151 : memref<128xi32, #tpu.memory_space<vmem>>) semaphore(%arg15 : memref<!tpu.dma_semaphore, #tpu.memory_space<semaphore_mem>>)
    %dma_wait3A_155 = arith.constant 0 : i32
    %dma_wait3A_156 = arith.constant 0 : i32
    %dma_wait3A_157 = arith.constant 0 : i32
    %dma_wait3A_158 = tpu.memref_slice %arg8[%dma_wait3A_155, %dma_wait3A_156, %dma_wait3A_157] : memref<3x128x128xf32, #tpu.memory_space<vmem>> -> memref<1x128x128xf32, #tpu.memory_space<vmem>>
    %dma_wait3A_159 = tpu.memref_squeeze %dma_wait3A_158 : memref<1x128x128xf32, #tpu.memory_space<vmem>> -> memref<128x128xf32, #tpu.memory_space<vmem>>
    %dma_wait3A_160 = arith.constant 0 : i32
    %dma_wait3A_161 = tpu.memref_slice %arg7[%dma_wait3A_160] : memref<512xi32, #tpu.memory_space<vmem>> -> memref<128xi32, #tpu.memory_space<vmem>>
    %dma_wait3A_162 = arith.constant 0 : i32
    %dma_wait3A_163 = arith.constant 0 : i32
    %dma_wait3A_164 = tpu.memref_slice %arg3[%dma_wait3A_162, %dma_wait3A_163] : memref<65536x128xf32, #tpu.memory_space<hbm>> -> memref<65536x128xf32, #tpu.memory_space<hbm>>
    tpu.wait_indirect_dma semaphore(%arg10 : memref<!tpu.dma_semaphore, #tpu.memory_space<semaphore_mem>>) src(%dma_wait3A_164 : memref<65536x128xf32, #tpu.memory_space<hbm>>) dst(%dma_wait3A_159 : memref<128x128xf32, #tpu.memory_space<vmem>>)
    %dma_wait3A_165 = arith.constant 0 : i32
    %dma_wait3A_166 = arith.constant 0 : i32
    %dma_wait3A_167 = arith.constant 0 : i32
    %dma_wait3A_168 = tpu.memref_slice %arg9[%dma_wait3A_165, %dma_wait3A_166, %dma_wait3A_167] : memref<3x128x128xf32, #tpu.memory_space<vmem>> -> memref<1x128x128xf32, #tpu.memory_space<vmem>>
    %dma_wait3A_169 = tpu.memref_squeeze %dma_wait3A_168 : memref<1x128x128xf32, #tpu.memory_space<vmem>> -> memref<128x128xf32, #tpu.memory_space<vmem>>
    %dma_wait3A_170 = arith.constant 0 : i32
    %dma_wait3A_171 = tpu.memref_slice %arg7[%dma_wait3A_170] : memref<512xi32, #tpu.memory_space<vmem>> -> memref<128xi32, #tpu.memory_space<vmem>>
    %dma_wait3A_172 = arith.constant 0 : i32
    %dma_wait3A_173 = arith.constant 0 : i32
    %dma_wait3A_174 = tpu.memref_slice %arg4[%dma_wait3A_172, %dma_wait3A_173] : memref<65536x128xf32, #tpu.memory_space<hbm>> -> memref<65536x128xf32, #tpu.memory_space<hbm>>
    tpu.wait_indirect_dma semaphore(%arg13 : memref<!tpu.dma_semaphore, #tpu.memory_space<semaphore_mem>>) src(%dma_wait3A_174 : memref<65536x128xf32, #tpu.memory_space<hbm>>) dst(%dma_wait3A_169 : memref<128x128xf32, #tpu.memory_space<vmem>>)
    %mul3A_175 = arith.constant 512 : i32
    %mul3A_176 = arith.muli %add3A, %mul3A_175 : i32
    %add3A_177 = arith.constant 0 : i32
    %add3A_178 = arith.addi %mul3A_176, %add3A_177 : i32
    %dma_start3A_179 = arith.constant 0 : i32
    %dma_start3A_180 = arith.constant 0 : i32
    %dma_start3A_181 = arith.constant 0 : i32
    %dma_start3A_182 = tpu.memref_slice %arg8[%dma_start3A_179, %dma_start3A_180, %dma_start3A_181] : memref<3x128x128xf32, #tpu.memory_space<vmem>> -> memref<1x128x128xf32, #tpu.memory_space<vmem>>
    %dma_start3A_183 = tpu.memref_squeeze %dma_start3A_182 : memref<1x128x128xf32, #tpu.memory_space<vmem>> -> memref<128x128xf32, #tpu.memory_space<vmem>>
    %dma_start3A_184 = arith.constant 0 : i32
    %dma_start3A_185 = tpu.memref_slice %arg5[%add3A_178, %dma_start3A_184] : memref<16384x128xf32, #tpu.memory_space<hbm>> -> memref<128x128xf32, #tpu.memory_space<hbm>>
    %dma_start3A_186 = arith.constant 0 : i32
    %dma_start3A_187 = tpu.memref_slice %arg5[%add3A_178, %dma_start3A_186] : memref<16384x128xf32, #tpu.memory_space<hbm>> -> memref<128x128xf32, #tpu.memory_space<hbm>>
    %dma_start3A_188 = arith.constant 0 : i32
    %dma_start3A_189 = arith.constant 0 : i32
    %dma_start3A_190 = tpu.memref_slice %arg8[%dma_start3A_179, %dma_start3A_188, %dma_start3A_189] : memref<3x128x128xf32, #tpu.memory_space<vmem>> -> memref<1x128x128xf32, #tpu.memory_space<vmem>>
    %dma_start3A_191 = tpu.memref_squeeze %dma_start3A_190 : memref<1x128x128xf32, #tpu.memory_space<vmem>> -> memref<128x128xf32, #tpu.memory_space<vmem>>
    tpu.enqueue_dma source(%dma_start3A_191 : memref<128x128xf32, #tpu.memory_space<vmem>>) target(%dma_start3A_187 : memref<128x128xf32, #tpu.memory_space<hbm>>) target_semaphore(%arg16 : memref<!tpu.dma_semaphore, #tpu.memory_space<semaphore_mem>>)
    %dma_start3A_192 = arith.constant 0 : i32
    %dma_start3A_193 = arith.constant 0 : i32
    %dma_start3A_194 = arith.constant 0 : i32
    %dma_start3A_195 = tpu.memref_slice %arg9[%dma_start3A_192, %dma_start3A_193, %dma_start3A_194] : memref<3x128x128xf32, #tpu.memory_space<vmem>> -> memref<1x128x128xf32, #tpu.memory_space<vmem>>
    %dma_start3A_196 = tpu.memref_squeeze %dma_start3A_195 : memref<1x128x128xf32, #tpu.memory_space<vmem>> -> memref<128x128xf32, #tpu.memory_space<vmem>>
    %dma_start3A_197 = arith.constant 0 : i32
    %dma_start3A_198 = tpu.memref_slice %arg6[%add3A_178, %dma_start3A_197] : memref<16384x128xf32, #tpu.memory_space<hbm>> -> memref<128x128xf32, #tpu.memory_space<hbm>>
    %dma_start3A_199 = arith.constant 0 : i32
    %dma_start3A_200 = tpu.memref_slice %arg6[%add3A_178, %dma_start3A_199] : memref<16384x128xf32, #tpu.memory_space<hbm>> -> memref<128x128xf32, #tpu.memory_space<hbm>>
    %dma_start3A_201 = arith.constant 0 : i32
    %dma_start3A_202 = arith.constant 0 : i32
    %dma_start3A_203 = tpu.memref_slice %arg9[%dma_start3A_192, %dma_start3A_201, %dma_start3A_202] : memref<3x128x128xf32, #tpu.memory_space<vmem>> -> memref<1x128x128xf32, #tpu.memory_space<vmem>>
    %dma_start3A_204 = tpu.memref_squeeze %dma_start3A_203 : memref<1x128x128xf32, #tpu.memory_space<vmem>> -> memref<128x128xf32, #tpu.memory_space<vmem>>
    tpu.enqueue_dma source(%dma_start3A_204 : memref<128x128xf32, #tpu.memory_space<vmem>>) target(%dma_start3A_200 : memref<128x128xf32, #tpu.memory_space<hbm>>) target_semaphore(%arg19 : memref<!tpu.dma_semaphore, #tpu.memory_space<semaphore_mem>>)
    %dma_wait3A_205 = arith.constant 0 : i32
    %dma_wait3A_206 = arith.constant 0 : i32
    %dma_wait3A_207 = arith.constant 0 : i32
    %dma_wait3A_208 = tpu.memref_slice %arg8[%dma_wait3A_205, %dma_wait3A_206, %dma_wait3A_207] : memref<3x128x128xf32, #tpu.memory_space<vmem>> -> memref<1x128x128xf32, #tpu.memory_space<vmem>>
    %dma_wait3A_209 = tpu.memref_squeeze %dma_wait3A_208 : memref<1x128x128xf32, #tpu.memory_space<vmem>> -> memref<128x128xf32, #tpu.memory_space<vmem>>
    %dma_wait3A_210 = arith.constant 0 : i32
    %dma_wait3A_211 = tpu.memref_slice %arg5[%add3A_178, %dma_wait3A_210] : memref<16384x128xf32, #tpu.memory_space<hbm>> -> memref<128x128xf32, #tpu.memory_space<hbm>>
    %dma_wait3A_212 = arith.constant 0 : i32
    %dma_wait3A_213 = tpu.memref_slice %arg5[%add3A_178, %dma_wait3A_212] : memref<16384x128xf32, #tpu.memory_space<hbm>> -> memref<128x128xf32, #tpu.memory_space<hbm>>
    %dma_wait3A_214 = arith.constant 0 : i32
    %dma_wait3A_215 = arith.constant 0 : i32
    %dma_wait3A_216 = tpu.memref_slice %arg8[%dma_wait3A_205, %dma_wait3A_214, %dma_wait3A_215] : memref<3x128x128xf32, #tpu.memory_space<vmem>> -> memref<1x128x128xf32, #tpu.memory_space<vmem>>
    %dma_wait3A_217 = tpu.memref_squeeze %dma_wait3A_216 : memref<1x128x128xf32, #tpu.memory_space<vmem>> -> memref<128x128xf32, #tpu.memory_space<vmem>>
    tpu.wait_dma2 semaphore(%arg16 : memref<!tpu.dma_semaphore, #tpu.memory_space<semaphore_mem>>) src(%dma_wait3A_217 : memref<128x128xf32, #tpu.memory_space<vmem>>) dst(%dma_wait3A_213 : memref<128x128xf32, #tpu.memory_space<hbm>>)
    %dma_wait3A_218 = arith.constant 0 : i32
    %dma_wait3A_219 = arith.constant 0 : i32
    %dma_wait3A_220 = arith.constant 0 : i32
    %dma_wait3A_221 = tpu.memref_slice %arg9[%dma_wait3A_218, %dma_wait3A_219, %dma_wait3A_220] : memref<3x128x128xf32, #tpu.memory_space<vmem>> -> memref<1x128x128xf32, #tpu.memory_space<vmem>>
    %dma_wait3A_222 = tpu.memref_squeeze %dma_wait3A_221 : memref<1x128x128xf32, #tpu.memory_space<vmem>> -> memref<128x128xf32, #tpu.memory_space<vmem>>
    %dma_wait3A_223 = arith.constant 0 : i32
    %dma_wait3A_224 = tpu.memref_slice %arg6[%add3A_178, %dma_wait3A_223] : memref<16384x128xf32, #tpu.memory_space<hbm>> -> memref<128x128xf32, #tpu.memory_space<hbm>>
    %dma_wait3A_225 = arith.constant 0 : i32
    %dma_wait3A_226 = tpu.memref_slice %arg6[%add3A_178, %dma_wait3A_225] : memref<16384x128xf32, #tpu.memory_space<hbm>> -> memref<128x128xf32, #tpu.memory_space<hbm>>
    %dma_wait3A_227 = arith.constant 0 : i32
    %dma_wait3A_228 = arith.constant 0 : i32
    %dma_wait3A_229 = tpu.memref_slice %arg9[%dma_wait3A_218, %dma_wait3A_227, %dma_wait3A_228] : memref<3x128x128xf32, #tpu.memory_space<vmem>> -> memref<1x128x128xf32, #tpu.memory_space<vmem>>
    %dma_wait3A_230 = tpu.memref_squeeze %dma_wait3A_229 : memref<1x128x128xf32, #tpu.memory_space<vmem>> -> memref<128x128xf32, #tpu.memory_space<vmem>>
    tpu.wait_dma2 semaphore(%arg19 : memref<!tpu.dma_semaphore, #tpu.memory_space<semaphore_mem>>) src(%dma_wait3A_230 : memref<128x128xf32, #tpu.memory_space<vmem>>) dst(%dma_wait3A_226 : memref<128x128xf32, #tpu.memory_space<hbm>>)
    %dma_wait3A_231 = arith.constant 384 : i32
    %dma_wait3A_232 = tpu.memref_slice %arg7[%dma_wait3A_231] : memref<512xi32, #tpu.memory_space<vmem>> -> memref<128xi32, #tpu.memory_space<vmem>>
    %dma_wait3A_233 = tpu.memref_slice %arg2[%select_n3A, %add3A_63] : memref<4x4096xi32, #tpu.memory_space<hbm>> -> memref<1x128xi32, #tpu.memory_space<hbm>>
    %dma_wait3A_234 = tpu.memref_squeeze %dma_wait3A_233 : memref<1x128xi32, #tpu.memory_space<hbm>> -> memref<128xi32, #tpu.memory_space<hbm>>
    %dma_wait3A_235 = arith.constant 384 : i32
    %dma_wait3A_236 = tpu.memref_slice %arg7[%dma_wait3A_235] : memref<512xi32, #tpu.memory_space<vmem>> -> memref<128xi32, #tpu.memory_space<vmem>>
    %dma_wait3A_237 = tpu.memref_slice %arg2[%select_n3A, %add3A_63] : memref<4x4096xi32, #tpu.memory_space<hbm>> -> memref<1x128xi32, #tpu.memory_space<hbm>>
    %dma_wait3A_238 = tpu.memref_squeeze %dma_wait3A_237 : memref<1x128xi32, #tpu.memory_space<hbm>> -> memref<128xi32, #tpu.memory_space<hbm>>
    tpu.wait_dma2 semaphore(%arg25 : memref<!tpu.dma_semaphore, #tpu.memory_space<semaphore_mem>>) src(%dma_wait3A_238 : memref<128xi32, #tpu.memory_space<hbm>>) dst(%dma_wait3A_236 : memref<128xi32, #tpu.memory_space<vmem>>)
    %dma_start3A_239 = arith.constant 0 : i32
    %dma_start3A_240 = arith.constant 0 : i32
    %dma_start3A_241 = arith.constant 0 : i32
    %dma_start3A_242 = tpu.memref_slice %arg8[%dma_start3A_239, %dma_start3A_240, %dma_start3A_241] : memref<3x128x128xf32, #tpu.memory_space<vmem>> -> memref<1x128x128xf32, #tpu.memory_space<vmem>>
    %dma_start3A_243 = tpu.memref_squeeze %dma_start3A_242 : memref<1x128x128xf32, #tpu.memory_space<vmem>> -> memref<128x128xf32, #tpu.memory_space<vmem>>
    %dma_start3A_244 = arith.constant 384 : i32
    %dma_start3A_245 = tpu.memref_slice %arg7[%dma_start3A_244] : memref<512xi32, #tpu.memory_space<vmem>> -> memref<128xi32, #tpu.memory_space<vmem>>
    %dma_start3A_246 = arith.constant 0 : i32
    %dma_start3A_247 = arith.constant 0 : i32
    %dma_start3A_248 = tpu.memref_slice %arg3[%dma_start3A_246, %dma_start3A_247] : memref<65536x128xf32, #tpu.memory_space<hbm>> -> memref<65536x128xf32, #tpu.memory_space<hbm>>
    tpu.enqueue_indirect_dma source(%dma_start3A_248 : memref<65536x128xf32, #tpu.memory_space<hbm>>) target(%dma_start3A_243 : memref<128x128xf32, #tpu.memory_space<vmem>>) offsets(%dma_start3A_245 : memref<128xi32, #tpu.memory_space<vmem>>) semaphore(%arg10 : memref<!tpu.dma_semaphore, #tpu.memory_space<semaphore_mem>>)
    %dma_start3A_249 = arith.constant 0 : i32
    %dma_start3A_250 = arith.constant 0 : i32
    %dma_start3A_251 = arith.constant 0 : i32
    %dma_start3A_252 = tpu.memref_slice %arg9[%dma_start3A_249, %dma_start3A_250, %dma_start3A_251] : memref<3x128x128xf32, #tpu.memory_space<vmem>> -> memref<1x128x128xf32, #tpu.memory_space<vmem>>
    %dma_start3A_253 = tpu.memref_squeeze %dma_start3A_252 : memref<1x128x128xf32, #tpu.memory_space<vmem>> -> memref<128x128xf32, #tpu.memory_space<vmem>>
    %dma_start3A_254 = arith.constant 384 : i32
    %dma_start3A_255 = tpu.memref_slice %arg7[%dma_start3A_254] : memref<512xi32, #tpu.memory_space<vmem>> -> memref<128xi32, #tpu.memory_space<vmem>>
    %dma_start3A_256 = arith.constant 0 : i32
    %dma_start3A_257 = arith.constant 0 : i32
    %dma_start3A_258 = tpu.memref_slice %arg4[%dma_start3A_256, %dma_start3A_257] : memref<65536x128xf32, #tpu.memory_space<hbm>> -> memref<65536x128xf32, #tpu.memory_space<hbm>>
    tpu.enqueue_indirect_dma source(%dma_start3A_258 : memref<65536x128xf32, #tpu.memory_space<hbm>>) target(%dma_start3A_253 : memref<128x128xf32, #tpu.memory_space<vmem>>) offsets(%dma_start3A_255 : memref<128xi32, #tpu.memory_space<vmem>>) semaphore(%arg13 : memref<!tpu.dma_semaphore, #tpu.memory_space<semaphore_mem>>)
    %dma_wait3A_259 = arith.constant 1 : i32
    %dma_wait3A_260 = arith.constant 0 : i32
    %dma_wait3A_261 = arith.constant 0 : i32
    %dma_wait3A_262 = tpu.memref_slice %arg8[%dma_wait3A_259, %dma_wait3A_260, %dma_wait3A_261] : memref<3x128x128xf32, #tpu.memory_space<vmem>> -> memref<1x128x128xf32, #tpu.memory_space<vmem>>
    %dma_wait3A_263 = tpu.memref_squeeze %dma_wait3A_262 : memref<1x128x128xf32, #tpu.memory_space<vmem>> -> memref<128x128xf32, #tpu.memory_space<vmem>>
    %dma_wait3A_264 = arith.constant 128 : i32
    %dma_wait3A_265 = tpu.memref_slice %arg7[%dma_wait3A_264] : memref<512xi32, #tpu.memory_space<vmem>> -> memref<128xi32, #tpu.memory_space<vmem>>
    %dma_wait3A_266 = arith.constant 0 : i32
    %dma_wait3A_267 = arith.constant 0 : i32
    %dma_wait3A_268 = tpu.memref_slice %arg3[%dma_wait3A_266, %dma_wait3A_267] : memref<65536x128xf32, #tpu.memory_space<hbm>> -> memref<65536x128xf32, #tpu.memory_space<hbm>>
    tpu.wait_indirect_dma semaphore(%arg11 : memref<!tpu.dma_semaphore, #tpu.memory_space<semaphore_mem>>) src(%dma_wait3A_268 : memref<65536x128xf32, #tpu.memory_space<hbm>>) dst(%dma_wait3A_263 : memref<128x128xf32, #tpu.memory_space<vmem>>)
    %dma_wait3A_269 = arith.constant 1 : i32
    %dma_wait3A_270 = arith.constant 0 : i32
    %dma_wait3A_271 = arith.constant 0 : i32
    %dma_wait3A_272 = tpu.memref_slice %arg9[%dma_wait3A_269, %dma_wait3A_270, %dma_wait3A_271] : memref<3x128x128xf32, #tpu.memory_space<vmem>> -> memref<1x128x128xf32, #tpu.memory_space<vmem>>
    %dma_wait3A_273 = tpu.memref_squeeze %dma_wait3A_272 : memref<1x128x128xf32, #tpu.memory_space<vmem>> -> memref<128x128xf32, #tpu.memory_space<vmem>>
    %dma_wait3A_274 = arith.constant 128 : i32
    %dma_wait3A_275 = tpu.memref_slice %arg7[%dma_wait3A_274] : memref<512xi32, #tpu.memory_space<vmem>> -> memref<128xi32, #tpu.memory_space<vmem>>
    %dma_wait3A_276 = arith.constant 0 : i32
    %dma_wait3A_277 = arith.constant 0 : i32
    %dma_wait3A_278 = tpu.memref_slice %arg4[%dma_wait3A_276, %dma_wait3A_277] : memref<65536x128xf32, #tpu.memory_space<hbm>> -> memref<65536x128xf32, #tpu.memory_space<hbm>>
    tpu.wait_indirect_dma semaphore(%arg14 : memref<!tpu.dma_semaphore, #tpu.memory_space<semaphore_mem>>) src(%dma_wait3A_278 : memref<65536x128xf32, #tpu.memory_space<hbm>>) dst(%dma_wait3A_273 : memref<128x128xf32, #tpu.memory_space<vmem>>)
    %mul3A_279 = arith.constant 512 : i32
    %mul3A_280 = arith.muli %add3A, %mul3A_279 : i32
    %add3A_281 = arith.constant 128 : i32
    %add3A_282 = arith.addi %mul3A_280, %add3A_281 : i32
    %dma_start3A_283 = arith.constant 1 : i32
    %dma_start3A_284 = arith.constant 0 : i32
    %dma_start3A_285 = arith.constant 0 : i32
    %dma_start3A_286 = tpu.memref_slice %arg8[%dma_start3A_283, %dma_start3A_284, %dma_start3A_285] : memref<3x128x128xf32, #tpu.memory_space<vmem>> -> memref<1x128x128xf32, #tpu.memory_space<vmem>>
    %dma_start3A_287 = tpu.memref_squeeze %dma_start3A_286 : memref<1x128x128xf32, #tpu.memory_space<vmem>> -> memref<128x128xf32, #tpu.memory_space<vmem>>
    %dma_start3A_288 = arith.constant 0 : i32
    %dma_start3A_289 = tpu.memref_slice %arg5[%add3A_282, %dma_start3A_288] : memref<16384x128xf32, #tpu.memory_space<hbm>> -> memref<128x128xf32, #tpu.memory_space<hbm>>
    %dma_start3A_290 = arith.constant 0 : i32
    %dma_start3A_291 = tpu.memref_slice %arg5[%add3A_282, %dma_start3A_290] : memref<16384x128xf32, #tpu.memory_space<hbm>> -> memref<128x128xf32, #tpu.memory_space<hbm>>
    %dma_start3A_292 = arith.constant 0 : i32
    %dma_start3A_293 = arith.constant 0 : i32
    %dma_start3A_294 = tpu.memref_slice %arg8[%dma_start3A_283, %dma_start3A_292, %dma_start3A_293] : memref<3x128x128xf32, #tpu.memory_space<vmem>> -> memref<1x128x128xf32, #tpu.memory_space<vmem>>
    %dma_start3A_295 = tpu.memref_squeeze %dma_start3A_294 : memref<1x128x128xf32, #tpu.memory_space<vmem>> -> memref<128x128xf32, #tpu.memory_space<vmem>>
    tpu.enqueue_dma source(%dma_start3A_295 : memref<128x128xf32, #tpu.memory_space<vmem>>) target(%dma_start3A_291 : memref<128x128xf32, #tpu.memory_space<hbm>>) target_semaphore(%arg17 : memref<!tpu.dma_semaphore, #tpu.memory_space<semaphore_mem>>)
    %dma_start3A_296 = arith.constant 1 : i32
    %dma_start3A_297 = arith.constant 0 : i32
    %dma_start3A_298 = arith.constant 0 : i32
    %dma_start3A_299 = tpu.memref_slice %arg9[%dma_start3A_296, %dma_start3A_297, %dma_start3A_298] : memref<3x128x128xf32, #tpu.memory_space<vmem>> -> memref<1x128x128xf32, #tpu.memory_space<vmem>>
    %dma_start3A_300 = tpu.memref_squeeze %dma_start3A_299 : memref<1x128x128xf32, #tpu.memory_space<vmem>> -> memref<128x128xf32, #tpu.memory_space<vmem>>
    %dma_start3A_301 = arith.constant 0 : i32
    %dma_start3A_302 = tpu.memref_slice %arg6[%add3A_282, %dma_start3A_301] : memref<16384x128xf32, #tpu.memory_space<hbm>> -> memref<128x128xf32, #tpu.memory_space<hbm>>
    %dma_start3A_303 = arith.constant 0 : i32
    %dma_start3A_304 = tpu.memref_slice %arg6[%add3A_282, %dma_start3A_303] : memref<16384x128xf32, #tpu.memory_space<hbm>> -> memref<128x128xf32, #tpu.memory_space<hbm>>
    %dma_start3A_305 = arith.constant 0 : i32
    %dma_start3A_306 = arith.constant 0 : i32
    %dma_start3A_307 = tpu.memref_slice %arg9[%dma_start3A_296, %dma_start3A_305, %dma_start3A_306] : memref<3x128x128xf32, #tpu.memory_space<vmem>> -> memref<1x128x128xf32, #tpu.memory_space<vmem>>
    %dma_start3A_308 = tpu.memref_squeeze %dma_start3A_307 : memref<1x128x128xf32, #tpu.memory_space<vmem>> -> memref<128x128xf32, #tpu.memory_space<vmem>>
    tpu.enqueue_dma source(%dma_start3A_308 : memref<128x128xf32, #tpu.memory_space<vmem>>) target(%dma_start3A_304 : memref<128x128xf32, #tpu.memory_space<hbm>>) target_semaphore(%arg20 : memref<!tpu.dma_semaphore, #tpu.memory_space<semaphore_mem>>)
    %dma_wait3A_309 = arith.constant 2 : i32
    %dma_wait3A_310 = arith.constant 0 : i32
    %dma_wait3A_311 = arith.constant 0 : i32
    %dma_wait3A_312 = tpu.memref_slice %arg8[%dma_wait3A_309, %dma_wait3A_310, %dma_wait3A_311] : memref<3x128x128xf32, #tpu.memory_space<vmem>> -> memref<1x128x128xf32, #tpu.memory_space<vmem>>
    %dma_wait3A_313 = tpu.memref_squeeze %dma_wait3A_312 : memref<1x128x128xf32, #tpu.memory_space<vmem>> -> memref<128x128xf32, #tpu.memory_space<vmem>>
    %dma_wait3A_314 = arith.constant 256 : i32
    %dma_wait3A_315 = tpu.memref_slice %arg7[%dma_wait3A_314] : memref<512xi32, #tpu.memory_space<vmem>> -> memref<128xi32, #tpu.memory_space<vmem>>
    %dma_wait3A_316 = arith.constant 0 : i32
    %dma_wait3A_317 = arith.constant 0 : i32
    %dma_wait3A_318 = tpu.memref_slice %arg3[%dma_wait3A_316, %dma_wait3A_317] : memref<65536x128xf32, #tpu.memory_space<hbm>> -> memref<65536x128xf32, #tpu.memory_space<hbm>>
    tpu.wait_indirect_dma semaphore(%arg12 : memref<!tpu.dma_semaphore, #tpu.memory_space<semaphore_mem>>) src(%dma_wait3A_318 : memref<65536x128xf32, #tpu.memory_space<hbm>>) dst(%dma_wait3A_313 : memref<128x128xf32, #tpu.memory_space<vmem>>)
    %dma_wait3A_319 = arith.constant 2 : i32
    %dma_wait3A_320 = arith.constant 0 : i32
    %dma_wait3A_321 = arith.constant 0 : i32
    %dma_wait3A_322 = tpu.memref_slice %arg9[%dma_wait3A_319, %dma_wait3A_320, %dma_wait3A_321] : memref<3x128x128xf32, #tpu.memory_space<vmem>> -> memref<1x128x128xf32, #tpu.memory_space<vmem>>
    %dma_wait3A_323 = tpu.memref_squeeze %dma_wait3A_322 : memref<1x128x128xf32, #tpu.memory_space<vmem>> -> memref<128x128xf32, #tpu.memory_space<vmem>>
    %dma_wait3A_324 = arith.constant 256 : i32
    %dma_wait3A_325 = tpu.memref_slice %arg7[%dma_wait3A_324] : memref<512xi32, #tpu.memory_space<vmem>> -> memref<128xi32, #tpu.memory_space<vmem>>
    %dma_wait3A_326 = arith.constant 0 : i32
    %dma_wait3A_327 = arith.constant 0 : i32
    %dma_wait3A_328 = tpu.memref_slice %arg4[%dma_wait3A_326, %dma_wait3A_327] : memref<65536x128xf32, #tpu.memory_space<hbm>> -> memref<65536x128xf32, #tpu.memory_space<hbm>>
    tpu.wait_indirect_dma semaphore(%arg15 : memref<!tpu.dma_semaphore, #tpu.memory_space<semaphore_mem>>) src(%dma_wait3A_328 : memref<65536x128xf32, #tpu.memory_space<hbm>>) dst(%dma_wait3A_323 : memref<128x128xf32, #tpu.memory_space<vmem>>)
    %mul3A_329 = arith.constant 512 : i32
    %mul3A_330 = arith.muli %add3A, %mul3A_329 : i32
    %add3A_331 = arith.constant 256 : i32
    %add3A_332 = arith.addi %mul3A_330, %add3A_331 : i32
    %dma_start3A_333 = arith.constant 2 : i32
    %dma_start3A_334 = arith.constant 0 : i32
    %dma_start3A_335 = arith.constant 0 : i32
    %dma_start3A_336 = tpu.memref_slice %arg8[%dma_start3A_333, %dma_start3A_334, %dma_start3A_335] : memref<3x128x128xf32, #tpu.memory_space<vmem>> -> memref<1x128x128xf32, #tpu.memory_space<vmem>>
    %dma_start3A_337 = tpu.memref_squeeze %dma_start3A_336 : memref<1x128x128xf32, #tpu.memory_space<vmem>> -> memref<128x128xf32, #tpu.memory_space<vmem>>
    %dma_start3A_338 = arith.constant 0 : i32
    %dma_start3A_339 = tpu.memref_slice %arg5[%add3A_332, %dma_start3A_338] : memref<16384x128xf32, #tpu.memory_space<hbm>> -> memref<128x128xf32, #tpu.memory_space<hbm>>
    %dma_start3A_340 = arith.constant 0 : i32
    %dma_start3A_341 = tpu.memref_slice %arg5[%add3A_332, %dma_start3A_340] : memref<16384x128xf32, #tpu.memory_space<hbm>> -> memref<128x128xf32, #tpu.memory_space<hbm>>
    %dma_start3A_342 = arith.constant 0 : i32
    %dma_start3A_343 = arith.constant 0 : i32
    %dma_start3A_344 = tpu.memref_slice %arg8[%dma_start3A_333, %dma_start3A_342, %dma_start3A_343] : memref<3x128x128xf32, #tpu.memory_space<vmem>> -> memref<1x128x128xf32, #tpu.memory_space<vmem>>
    %dma_start3A_345 = tpu.memref_squeeze %dma_start3A_344 : memref<1x128x128xf32, #tpu.memory_space<vmem>> -> memref<128x128xf32, #tpu.memory_space<vmem>>
    tpu.enqueue_dma source(%dma_start3A_345 : memref<128x128xf32, #tpu.memory_space<vmem>>) target(%dma_start3A_341 : memref<128x128xf32, #tpu.memory_space<hbm>>) target_semaphore(%arg18 : memref<!tpu.dma_semaphore, #tpu.memory_space<semaphore_mem>>)
    %dma_start3A_346 = arith.constant 2 : i32
    %dma_start3A_347 = arith.constant 0 : i32
    %dma_start3A_348 = arith.constant 0 : i32
    %dma_start3A_349 = tpu.memref_slice %arg9[%dma_start3A_346, %dma_start3A_347, %dma_start3A_348] : memref<3x128x128xf32, #tpu.memory_space<vmem>> -> memref<1x128x128xf32, #tpu.memory_space<vmem>>
    %dma_start3A_350 = tpu.memref_squeeze %dma_start3A_349 : memref<1x128x128xf32, #tpu.memory_space<vmem>> -> memref<128x128xf32, #tpu.memory_space<vmem>>
    %dma_start3A_351 = arith.constant 0 : i32
    %dma_start3A_352 = tpu.memref_slice %arg6[%add3A_332, %dma_start3A_351] : memref<16384x128xf32, #tpu.memory_space<hbm>> -> memref<128x128xf32, #tpu.memory_space<hbm>>
    %dma_start3A_353 = arith.constant 0 : i32
    %dma_start3A_354 = tpu.memref_slice %arg6[%add3A_332, %dma_start3A_353] : memref<16384x128xf32, #tpu.memory_space<hbm>> -> memref<128x128xf32, #tpu.memory_space<hbm>>
    %dma_start3A_355 = arith.constant 0 : i32
    %dma_start3A_356 = arith.constant 0 : i32
    %dma_start3A_357 = tpu.memref_slice %arg9[%dma_start3A_346, %dma_start3A_355, %dma_start3A_356] : memref<3x128x128xf32, #tpu.memory_space<vmem>> -> memref<1x128x128xf32, #tpu.memory_space<vmem>>
    %dma_start3A_358 = tpu.memref_squeeze %dma_start3A_357 : memref<1x128x128xf32, #tpu.memory_space<vmem>> -> memref<128x128xf32, #tpu.memory_space<vmem>>
    tpu.enqueue_dma source(%dma_start3A_358 : memref<128x128xf32, #tpu.memory_space<vmem>>) target(%dma_start3A_354 : memref<128x128xf32, #tpu.memory_space<hbm>>) target_semaphore(%arg21 : memref<!tpu.dma_semaphore, #tpu.memory_space<semaphore_mem>>)
    %dma_wait3A_359 = arith.constant 0 : i32
    %dma_wait3A_360 = arith.constant 0 : i32
    %dma_wait3A_361 = arith.constant 0 : i32
    %dma_wait3A_362 = tpu.memref_slice %arg8[%dma_wait3A_359, %dma_wait3A_360, %dma_wait3A_361] : memref<3x128x128xf32, #tpu.memory_space<vmem>> -> memref<1x128x128xf32, #tpu.memory_space<vmem>>
    %dma_wait3A_363 = tpu.memref_squeeze %dma_wait3A_362 : memref<1x128x128xf32, #tpu.memory_space<vmem>> -> memref<128x128xf32, #tpu.memory_space<vmem>>
    %dma_wait3A_364 = arith.constant 384 : i32
    %dma_wait3A_365 = tpu.memref_slice %arg7[%dma_wait3A_364] : memref<512xi32, #tpu.memory_space<vmem>> -> memref<128xi32, #tpu.memory_space<vmem>>
    %dma_wait3A_366 = arith.constant 0 : i32
    %dma_wait3A_367 = arith.constant 0 : i32
    %dma_wait3A_368 = tpu.memref_slice %arg3[%dma_wait3A_366, %dma_wait3A_367] : memref<65536x128xf32, #tpu.memory_space<hbm>> -> memref<65536x128xf32, #tpu.memory_space<hbm>>
    tpu.wait_indirect_dma semaphore(%arg10 : memref<!tpu.dma_semaphore, #tpu.memory_space<semaphore_mem>>) src(%dma_wait3A_368 : memref<65536x128xf32, #tpu.memory_space<hbm>>) dst(%dma_wait3A_363 : memref<128x128xf32, #tpu.memory_space<vmem>>)
    %dma_wait3A_369 = arith.constant 0 : i32
    %dma_wait3A_370 = arith.constant 0 : i32
    %dma_wait3A_371 = arith.constant 0 : i32
    %dma_wait3A_372 = tpu.memref_slice %arg9[%dma_wait3A_369, %dma_wait3A_370, %dma_wait3A_371] : memref<3x128x128xf32, #tpu.memory_space<vmem>> -> memref<1x128x128xf32, #tpu.memory_space<vmem>>
    %dma_wait3A_373 = tpu.memref_squeeze %dma_wait3A_372 : memref<1x128x128xf32, #tpu.memory_space<vmem>> -> memref<128x128xf32, #tpu.memory_space<vmem>>
    %dma_wait3A_374 = arith.constant 384 : i32
    %dma_wait3A_375 = tpu.memref_slice %arg7[%dma_wait3A_374] : memref<512xi32, #tpu.memory_space<vmem>> -> memref<128xi32, #tpu.memory_space<vmem>>
    %dma_wait3A_376 = arith.constant 0 : i32
    %dma_wait3A_377 = arith.constant 0 : i32
    %dma_wait3A_378 = tpu.memref_slice %arg4[%dma_wait3A_376, %dma_wait3A_377] : memref<65536x128xf32, #tpu.memory_space<hbm>> -> memref<65536x128xf32, #tpu.memory_space<hbm>>
    tpu.wait_indirect_dma semaphore(%arg13 : memref<!tpu.dma_semaphore, #tpu.memory_space<semaphore_mem>>) src(%dma_wait3A_378 : memref<65536x128xf32, #tpu.memory_space<hbm>>) dst(%dma_wait3A_373 : memref<128x128xf32, #tpu.memory_space<vmem>>)
    %mul3A_379 = arith.constant 512 : i32
    %mul3A_380 = arith.muli %add3A, %mul3A_379 : i32
    %add3A_381 = arith.constant 384 : i32
    %add3A_382 = arith.addi %mul3A_380, %add3A_381 : i32
    %dma_start3A_383 = arith.constant 0 : i32
    %dma_start3A_384 = arith.constant 0 : i32
    %dma_start3A_385 = arith.constant 0 : i32
    %dma_start3A_386 = tpu.memref_slice %arg8[%dma_start3A_383, %dma_start3A_384, %dma_start3A_385] : memref<3x128x128xf32, #tpu.memory_space<vmem>> -> memref<1x128x128xf32, #tpu.memory_space<vmem>>
    %dma_start3A_387 = tpu.memref_squeeze %dma_start3A_386 : memref<1x128x128xf32, #tpu.memory_space<vmem>> -> memref<128x128xf32, #tpu.memory_space<vmem>>
    %dma_start3A_388 = arith.constant 0 : i32
    %dma_start3A_389 = tpu.memref_slice %arg5[%add3A_382, %dma_start3A_388] : memref<16384x128xf32, #tpu.memory_space<hbm>> -> memref<128x128xf32, #tpu.memory_space<hbm>>
    %dma_start3A_390 = arith.constant 0 : i32
    %dma_start3A_391 = tpu.memref_slice %arg5[%add3A_382, %dma_start3A_390] : memref<16384x128xf32, #tpu.memory_space<hbm>> -> memref<128x128xf32, #tpu.memory_space<hbm>>
    %dma_start3A_392 = arith.constant 0 : i32
    %dma_start3A_393 = arith.constant 0 : i32
    %dma_start3A_394 = tpu.memref_slice %arg8[%dma_start3A_383, %dma_start3A_392, %dma_start3A_393] : memref<3x128x128xf32, #tpu.memory_space<vmem>> -> memref<1x128x128xf32, #tpu.memory_space<vmem>>
    %dma_start3A_395 = tpu.memref_squeeze %dma_start3A_394 : memref<1x128x128xf32, #tpu.memory_space<vmem>> -> memref<128x128xf32, #tpu.memory_space<vmem>>
    tpu.enqueue_dma source(%dma_start3A_395 : memref<128x128xf32, #tpu.memory_space<vmem>>) target(%dma_start3A_391 : memref<128x128xf32, #tpu.memory_space<hbm>>) target_semaphore(%arg16 : memref<!tpu.dma_semaphore, #tpu.memory_space<semaphore_mem>>)
    %dma_start3A_396 = arith.constant 0 : i32
    %dma_start3A_397 = arith.constant 0 : i32
    %dma_start3A_398 = arith.constant 0 : i32
    %dma_start3A_399 = tpu.memref_slice %arg9[%dma_start3A_396, %dma_start3A_397, %dma_start3A_398] : memref<3x128x128xf32, #tpu.memory_space<vmem>> -> memref<1x128x128xf32, #tpu.memory_space<vmem>>
    %dma_start3A_400 = tpu.memref_squeeze %dma_start3A_399 : memref<1x128x128xf32, #tpu.memory_space<vmem>> -> memref<128x128xf32, #tpu.memory_space<vmem>>
    %dma_start3A_401 = arith.constant 0 : i32
    %dma_start3A_402 = tpu.memref_slice %arg6[%add3A_382, %dma_start3A_401] : memref<16384x128xf32, #tpu.memory_space<hbm>> -> memref<128x128xf32, #tpu.memory_space<hbm>>
    %dma_start3A_403 = arith.constant 0 : i32
    %dma_start3A_404 = tpu.memref_slice %arg6[%add3A_382, %dma_start3A_403] : memref<16384x128xf32, #tpu.memory_space<hbm>> -> memref<128x128xf32, #tpu.memory_space<hbm>>
    %dma_start3A_405 = arith.constant 0 : i32
    %dma_start3A_406 = arith.constant 0 : i32
    %dma_start3A_407 = tpu.memref_slice %arg9[%dma_start3A_396, %dma_start3A_405, %dma_start3A_406] : memref<3x128x128xf32, #tpu.memory_space<vmem>> -> memref<1x128x128xf32, #tpu.memory_space<vmem>>
    %dma_start3A_408 = tpu.memref_squeeze %dma_start3A_407 : memref<1x128x128xf32, #tpu.memory_space<vmem>> -> memref<128x128xf32, #tpu.memory_space<vmem>>
    tpu.enqueue_dma source(%dma_start3A_408 : memref<128x128xf32, #tpu.memory_space<vmem>>) target(%dma_start3A_404 : memref<128x128xf32, #tpu.memory_space<hbm>>) target_semaphore(%arg19 : memref<!tpu.dma_semaphore, #tpu.memory_space<semaphore_mem>>)
    %dma_wait3A_409 = arith.constant 1 : i32
    %dma_wait3A_410 = arith.constant 0 : i32
    %dma_wait3A_411 = arith.constant 0 : i32
    %dma_wait3A_412 = tpu.memref_slice %arg8[%dma_wait3A_409, %dma_wait3A_410, %dma_wait3A_411] : memref<3x128x128xf32, #tpu.memory_space<vmem>> -> memref<1x128x128xf32, #tpu.memory_space<vmem>>
    %dma_wait3A_413 = tpu.memref_squeeze %dma_wait3A_412 : memref<1x128x128xf32, #tpu.memory_space<vmem>> -> memref<128x128xf32, #tpu.memory_space<vmem>>
    %dma_wait3A_414 = arith.constant 0 : i32
    %dma_wait3A_415 = tpu.memref_slice %arg5[%add3A_282, %dma_wait3A_414] : memref<16384x128xf32, #tpu.memory_space<hbm>> -> memref<128x128xf32, #tpu.memory_space<hbm>>
    %dma_wait3A_416 = arith.constant 0 : i32
    %dma_wait3A_417 = tpu.memref_slice %arg5[%add3A_282, %dma_wait3A_416] : memref<16384x128xf32, #tpu.memory_space<hbm>> -> memref<128x128xf32, #tpu.memory_space<hbm>>
    %dma_wait3A_418 = arith.constant 0 : i32
    %dma_wait3A_419 = arith.constant 0 : i32
    %dma_wait3A_420 = tpu.memref_slice %arg8[%dma_wait3A_409, %dma_wait3A_418, %dma_wait3A_419] : memref<3x128x128xf32, #tpu.memory_space<vmem>> -> memref<1x128x128xf32, #tpu.memory_space<vmem>>
    %dma_wait3A_421 = tpu.memref_squeeze %dma_wait3A_420 : memref<1x128x128xf32, #tpu.memory_space<vmem>> -> memref<128x128xf32, #tpu.memory_space<vmem>>
    tpu.wait_dma2 semaphore(%arg17 : memref<!tpu.dma_semaphore, #tpu.memory_space<semaphore_mem>>) src(%dma_wait3A_421 : memref<128x128xf32, #tpu.memory_space<vmem>>) dst(%dma_wait3A_417 : memref<128x128xf32, #tpu.memory_space<hbm>>)
    %dma_wait3A_422 = arith.constant 1 : i32
    %dma_wait3A_423 = arith.constant 0 : i32
    %dma_wait3A_424 = arith.constant 0 : i32
    %dma_wait3A_425 = tpu.memref_slice %arg9[%dma_wait3A_422, %dma_wait3A_423, %dma_wait3A_424] : memref<3x128x128xf32, #tpu.memory_space<vmem>> -> memref<1x128x128xf32, #tpu.memory_space<vmem>>
    %dma_wait3A_426 = tpu.memref_squeeze %dma_wait3A_425 : memref<1x128x128xf32, #tpu.memory_space<vmem>> -> memref<128x128xf32, #tpu.memory_space<vmem>>
    %dma_wait3A_427 = arith.constant 0 : i32
    %dma_wait3A_428 = tpu.memref_slice %arg6[%add3A_282, %dma_wait3A_427] : memref<16384x128xf32, #tpu.memory_space<hbm>> -> memref<128x128xf32, #tpu.memory_space<hbm>>
    %dma_wait3A_429 = arith.constant 0 : i32
    %dma_wait3A_430 = tpu.memref_slice %arg6[%add3A_282, %dma_wait3A_429] : memref<16384x128xf32, #tpu.memory_space<hbm>> -> memref<128x128xf32, #tpu.memory_space<hbm>>
    %dma_wait3A_431 = arith.constant 0 : i32
    %dma_wait3A_432 = arith.constant 0 : i32
    %dma_wait3A_433 = tpu.memref_slice %arg9[%dma_wait3A_422, %dma_wait3A_431, %dma_wait3A_432] : memref<3x128x128xf32, #tpu.memory_space<vmem>> -> memref<1x128x128xf32, #tpu.memory_space<vmem>>
    %dma_wait3A_434 = tpu.memref_squeeze %dma_wait3A_433 : memref<1x128x128xf32, #tpu.memory_space<vmem>> -> memref<128x128xf32, #tpu.memory_space<vmem>>
    tpu.wait_dma2 semaphore(%arg20 : memref<!tpu.dma_semaphore, #tpu.memory_space<semaphore_mem>>) src(%dma_wait3A_434 : memref<128x128xf32, #tpu.memory_space<vmem>>) dst(%dma_wait3A_430 : memref<128x128xf32, #tpu.memory_space<hbm>>)
    %dma_wait3A_435 = arith.constant 2 : i32
    %dma_wait3A_436 = arith.constant 0 : i32
    %dma_wait3A_437 = arith.constant 0 : i32
    %dma_wait3A_438 = tpu.memref_slice %arg8[%dma_wait3A_435, %dma_wait3A_436, %dma_wait3A_437] : memref<3x128x128xf32, #tpu.memory_space<vmem>> -> memref<1x128x128xf32, #tpu.memory_space<vmem>>
    %dma_wait3A_439 = tpu.memref_squeeze %dma_wait3A_438 : memref<1x128x128xf32, #tpu.memory_space<vmem>> -> memref<128x128xf32, #tpu.memory_space<vmem>>
    %dma_wait3A_440 = arith.constant 0 : i32
    %dma_wait3A_441 = tpu.memref_slice %arg5[%add3A_332, %dma_wait3A_440] : memref<16384x128xf32, #tpu.memory_space<hbm>> -> memref<128x128xf32, #tpu.memory_space<hbm>>
    %dma_wait3A_442 = arith.constant 0 : i32
    %dma_wait3A_443 = tpu.memref_slice %arg5[%add3A_332, %dma_wait3A_442] : memref<16384x128xf32, #tpu.memory_space<hbm>> -> memref<128x128xf32, #tpu.memory_space<hbm>>
    %dma_wait3A_444 = arith.constant 0 : i32
    %dma_wait3A_445 = arith.constant 0 : i32
    %dma_wait3A_446 = tpu.memref_slice %arg8[%dma_wait3A_435, %dma_wait3A_444, %dma_wait3A_445] : memref<3x128x128xf32, #tpu.memory_space<vmem>> -> memref<1x128x128xf32, #tpu.memory_space<vmem>>
    %dma_wait3A_447 = tpu.memref_squeeze %dma_wait3A_446 : memref<1x128x128xf32, #tpu.memory_space<vmem>> -> memref<128x128xf32, #tpu.memory_space<vmem>>
    tpu.wait_dma2 semaphore(%arg18 : memref<!tpu.dma_semaphore, #tpu.memory_space<semaphore_mem>>) src(%dma_wait3A_447 : memref<128x128xf32, #tpu.memory_space<vmem>>) dst(%dma_wait3A_443 : memref<128x128xf32, #tpu.memory_space<hbm>>)
    %dma_wait3A_448 = arith.constant 2 : i32
    %dma_wait3A_449 = arith.constant 0 : i32
    %dma_wait3A_450 = arith.constant 0 : i32
    %dma_wait3A_451 = tpu.memref_slice %arg9[%dma_wait3A_448, %dma_wait3A_449, %dma_wait3A_450] : memref<3x128x128xf32, #tpu.memory_space<vmem>> -> memref<1x128x128xf32, #tpu.memory_space<vmem>>
    %dma_wait3A_452 = tpu.memref_squeeze %dma_wait3A_451 : memref<1x128x128xf32, #tpu.memory_space<vmem>> -> memref<128x128xf32, #tpu.memory_space<vmem>>
    %dma_wait3A_453 = arith.constant 0 : i32
    %dma_wait3A_454 = tpu.memref_slice %arg6[%add3A_332, %dma_wait3A_453] : memref<16384x128xf32, #tpu.memory_space<hbm>> -> memref<128x128xf32, #tpu.memory_space<hbm>>
    %dma_wait3A_455 = arith.constant 0 : i32
    %dma_wait3A_456 = tpu.memref_slice %arg6[%add3A_332, %dma_wait3A_455] : memref<16384x128xf32, #tpu.memory_space<hbm>> -> memref<128x128xf32, #tpu.memory_space<hbm>>
    %dma_wait3A_457 = arith.constant 0 : i32
    %dma_wait3A_458 = arith.constant 0 : i32
    %dma_wait3A_459 = tpu.memref_slice %arg9[%dma_wait3A_448, %dma_wait3A_457, %dma_wait3A_458] : memref<3x128x128xf32, #tpu.memory_space<vmem>> -> memref<1x128x128xf32, #tpu.memory_space<vmem>>
    %dma_wait3A_460 = tpu.memref_squeeze %dma_wait3A_459 : memref<1x128x128xf32, #tpu.memory_space<vmem>> -> memref<128x128xf32, #tpu.memory_space<vmem>>
    tpu.wait_dma2 semaphore(%arg21 : memref<!tpu.dma_semaphore, #tpu.memory_space<semaphore_mem>>) src(%dma_wait3A_460 : memref<128x128xf32, #tpu.memory_space<vmem>>) dst(%dma_wait3A_456 : memref<128x128xf32, #tpu.memory_space<hbm>>)
    %dma_wait3A_461 = arith.constant 0 : i32
    %dma_wait3A_462 = arith.constant 0 : i32
    %dma_wait3A_463 = arith.constant 0 : i32
    %dma_wait3A_464 = tpu.memref_slice %arg8[%dma_wait3A_461, %dma_wait3A_462, %dma_wait3A_463] : memref<3x128x128xf32, #tpu.memory_space<vmem>> -> memref<1x128x128xf32, #tpu.memory_space<vmem>>
    %dma_wait3A_465 = tpu.memref_squeeze %dma_wait3A_464 : memref<1x128x128xf32, #tpu.memory_space<vmem>> -> memref<128x128xf32, #tpu.memory_space<vmem>>
    %dma_wait3A_466 = arith.constant 0 : i32
    %dma_wait3A_467 = tpu.memref_slice %arg5[%add3A_382, %dma_wait3A_466] : memref<16384x128xf32, #tpu.memory_space<hbm>> -> memref<128x128xf32, #tpu.memory_space<hbm>>
    %dma_wait3A_468 = arith.constant 0 : i32
    %dma_wait3A_469 = tpu.memref_slice %arg5[%add3A_382, %dma_wait3A_468] : memref<16384x128xf32, #tpu.memory_space<hbm>> -> memref<128x128xf32, #tpu.memory_space<hbm>>
    %dma_wait3A_470 = arith.constant 0 : i32
    %dma_wait3A_471 = arith.constant 0 : i32
    %dma_wait3A_472 = tpu.memref_slice %arg8[%dma_wait3A_461, %dma_wait3A_470, %dma_wait3A_471] : memref<3x128x128xf32, #tpu.memory_space<vmem>> -> memref<1x128x128xf32, #tpu.memory_space<vmem>>
    %dma_wait3A_473 = tpu.memref_squeeze %dma_wait3A_472 : memref<1x128x128xf32, #tpu.memory_space<vmem>> -> memref<128x128xf32, #tpu.memory_space<vmem>>
    tpu.wait_dma2 semaphore(%arg16 : memref<!tpu.dma_semaphore, #tpu.memory_space<semaphore_mem>>) src(%dma_wait3A_473 : memref<128x128xf32, #tpu.memory_space<vmem>>) dst(%dma_wait3A_469 : memref<128x128xf32, #tpu.memory_space<hbm>>)
    %dma_wait3A_474 = arith.constant 0 : i32
    %dma_wait3A_475 = arith.constant 0 : i32
    %dma_wait3A_476 = arith.constant 0 : i32
    %dma_wait3A_477 = tpu.memref_slice %arg9[%dma_wait3A_474, %dma_wait3A_475, %dma_wait3A_476] : memref<3x128x128xf32, #tpu.memory_space<vmem>> -> memref<1x128x128xf32, #tpu.memory_space<vmem>>
    %dma_wait3A_478 = tpu.memref_squeeze %dma_wait3A_477 : memref<1x128x128xf32, #tpu.memory_space<vmem>> -> memref<128x128xf32, #tpu.memory_space<vmem>>
    %dma_wait3A_479 = arith.constant 0 : i32
    %dma_wait3A_480 = tpu.memref_slice %arg6[%add3A_382, %dma_wait3A_479] : memref<16384x128xf32, #tpu.memory_space<hbm>> -> memref<128x128xf32, #tpu.memory_space<hbm>>
    %dma_wait3A_481 = arith.constant 0 : i32
    %dma_wait3A_482 = tpu.memref_slice %arg6[%add3A_382, %dma_wait3A_481] : memref<16384x128xf32, #tpu.memory_space<hbm>> -> memref<128x128xf32, #tpu.memory_space<hbm>>
    %dma_wait3A_483 = arith.constant 0 : i32
    %dma_wait3A_484 = arith.constant 0 : i32
    %dma_wait3A_485 = tpu.memref_slice %arg9[%dma_wait3A_474, %dma_wait3A_483, %dma_wait3A_484] : memref<3x128x128xf32, #tpu.memory_space<vmem>> -> memref<1x128x128xf32, #tpu.memory_space<vmem>>
    %dma_wait3A_486 = tpu.memref_squeeze %dma_wait3A_485 : memref<1x128x128xf32, #tpu.memory_space<vmem>> -> memref<128x128xf32, #tpu.memory_space<vmem>>
    tpu.wait_dma2 semaphore(%arg19 : memref<!tpu.dma_semaphore, #tpu.memory_space<semaphore_mem>>) src(%dma_wait3A_486 : memref<128x128xf32, #tpu.memory_space<vmem>>) dst(%dma_wait3A_482 : memref<128x128xf32, #tpu.memory_space<hbm>>)
    return
  }
}

</mosaic_0001>

<sc_bundles>
// kernel: _rope_gather.3.cloned.1.call-start
scs
__scs_entry_jumppad:
0x0: {  	(pc) =	sbr.rel $0x88, $3  }
0x1: {  	(tag) =	ssettag $0x0;
	lr =	simm.s32 $0x1  }
0x2: {  	[smem:$0x3F9E] =	sst lr;
	_ =	strace $0xD0000000  }
0x3: {  	_ = 	snop  }
0x4: {  	_ = 	snop  }
0x5: {  	_ = 	snop  }
0x6: {  	_ = 	snop  }
0x7: {  	_ = 	snop  }
__scs_overlays_trampoline_lowered:
0x8: {  	[smem:$0x3FAD] =	sst s0  }
0x9: {  	[smem:$0x3FAE] =	sst s1  }
0xa: {  	[smem:$0x3FAF] =	sst s2  }
0xb: {  	[smem:$0x3FB0] =	sst s3  }
0xc: {  	[smem:$0x3FB1] =	sst s4  }
0xd: {  	[smem:$0x3FB2] =	sst s5  }
0xe: {  	[smem:$0x3FB3] =	sst s6  }
0xf: {  	[smem:$0x3FB4] =	sst s7  }
0x10: {  	[smem:$0x3FB5] =	sst s8  }
0x11: {  	[smem:$0x3FB6] =	sst s9;
	s0 =	simm.s32 @!p0 $0x0  }
0x12: {  	s1 =	sld [smem:$0x3F9C];
	s0 =	simm.s32 @p0 $0x1  }
0x13: {  	[smem:$0x3FB7] =	sst s0;
	s0 =	simm.s32 @!p1 $0x0  }
0x14: {  	s2 =	sld [smem:$0x3F9B];
	s0 =	simm.s32 @p1 $0x1  }
0x15: {  	[smem:$0x3FB8] =	sst s0;
	s0 =	simm.s32 @!p2 $0x0  }
0x16: {  	s3 =	sld [smem:$0x3FDB];
	s0 =	simm.s32 @p2 $0x1  }
0x17: {  	s4 =	simm.s32 $0x1BF5;
	[smem:$0x3FBA] =	sst s0  }
0x18: {  	s0 =	sld [smem:$0x3F9D];
	_ =	swait.ge [sflag:s4], $0x0  }
0x19: {  	s7 =	sld [smem:$0x3F9E]  }
0x1a: {  	s8 =	sadd.s32 $0xFFFFE003, lr  }
0x1b: {  	s9 =	sadd.s32 $0xFFFFFEF7, lr;
	s5 =	simm.s32 $0xFFFFFFFF;
	p2 =	slt.u32 s8, $0xFFFFF086  }
0x1c: {  	p1 =	slt.u32 s9, $0xF7A;
	s5 =	simm.s32 @!p2 $0x0  }
0x1d: {  	s5 =	simm.s32 @p1 $0x1;
	p0 =	seq.s32 s7, s2  }
0x1e: {  	s7 =	smul.u32 @!p0 $0xF7A, s2;
	p2 =	seq.s32 @!p0 s5, $0x0  }
0x1f: {  	s9 =	smul.u32 $0xF7A, s1;
	s8 =	simm.s32 @!p0 $0x1BF5;
	p2 =	por !p2, p0  }
0x20: {  	[sflag:s8] =	ssyncset.s32 @!p0 $0xFFFFF086;
	s6 =	sadd.s32 @!p0 s3, s7;
	s7 =	simm.s32 @!p0 $0x108  }
0x21: {  	s3 =	sadd.s32 s3, s9;
	s6 =	sadd.s32 @!p0 $0x88, s6;
	s7 =	simm.s32 @p2 $0x1082  }
0x22: {  	[simem:s7], [sflag:s8] =	dma.local @!p0 [hbm:s6], $0xF7A  }
0x23: {  	s9 =	sor.u32 $0xD0000000, s2;
	s6 =	simm.s32 $0x108;
	_ =	swait.ge @!p0 [sflag:s8], $0x0  }
0x24: {  	s3 =	sadd.s32 $0x88, s3;
	s6 =	simm.s32 @!p1 $0x1082;
	[sflag:s4] =	ssyncset.s32 $0xFFFFF086  }
0x25: {  	[simem:s6], [sflag:s4] =	dma.local [hbm:s3], $0xF7A  }
0x26: {  	[smem:$0x3F9E] =	sst s1;
	(tag) =	ssettag s2;
	_ =	strace s9  }
0x27: {  	s1 =	sld [smem:$0x3FAE]  }
0x28: {  	s2 =	sld [smem:$0x3FAF]  }
0x29: {  	s4 =	sld [smem:$0x3FB1]  }
0x2a: {  	p0 =	seq.s32 s5, $0x0;
	s5 =	sld [smem:$0x3FB2]  }
0x2b: {  	s6 =	sld [smem:$0x3FB3]  }
0x2c: {  	s7 =	sld [smem:$0x3FB4]  }
0x2d: {  	s3 =	simm.s32 $0x108;
	s8 =	sld [smem:$0x3FB5]  }
0x2e: {  	s3 =	simm.s32 @!p0 $0x1082;
	s9 =	sld [smem:$0x3FB6]  }
0x2f: {  	lr =	sadd.s32 s0, s3;
	s0 =	sld [smem:$0x3FAD]  }
0x30: {  	s3 =	sld [smem:$0x3FB0]  }
0x31: {  	[smem:$0x3FB9] =	sst s10  }
0x32: {  	s10 =	sld [smem:$0x3FB7];
	_ =	sdelay $0x3  }
0x33: {  	p0 =	seq.s32 s10, $0x1;
	s10 =	sld [smem:$0x3FB9];
	_ =	sdelay $0x3  }
0x34: {  	[smem:$0x3FB9] =	sst s10  }
0x35: {  	s10 =	sld [smem:$0x3FB8];
	_ =	sdelay $0x3  }
0x36: {  	p1 =	seq.s32 s10, $0x1;
	s10 =	sld [smem:$0x3FB9];
	_ =	sdelay $0x3  }
0x37: {  	[smem:$0x3FB9] =	sst s10  }
0x38: {  	s10 =	sld [smem:$0x3FBA]  }
0x39: {  	_ = 	snop;
	(pc) =	sbr.ind lr, $3  }
0x3a: {  	_ = 	snop  }
0x3b: {  	_ = 	snop  }
0x3c: {  	p2 =	seq.s32 s10, $0x1;
	s10 =	sld [smem:$0x3FB9]  }
0x3d: {  	_ =	shalt  }
0x3e: {  	_ =	shalt  }
0x3f: {  	_ =	shalt  }
0x40: {  	_ =	shalt  }
0x41: {  	_ =	shalt  }
0x42: {  	_ =	shalt  }
0x43: {  	_ =	shalt  }
0x44: {  	_ =	shalt  }
0x45: {  	_ =	shalt  }
0x46: {  	_ =	shalt  }
0x47: {  	_ =	shalt  }
0x48: {  	_ =	shalt  }
0x49: {  	_ =	shalt  }
0x4a: {  	_ =	shalt  }
0x4b: {  	_ =	shalt  }
0x4c: {  	_ =	shalt  }
0x4d: {  	_ =	shalt  }
0x4e: {  	_ =	shalt  }
0x4f: {  	_ =	shalt  }
0x50: {  	_ =	shalt  }
0x51: {  	_ =	shalt  }
0x52: {  	_ =	shalt  }
0x53: {  	_ =	shalt  }
0x54: {  	_ =	shalt  }
0x55: {  	_ =	shalt  }
0x56: {  	_ =	shalt  }
0x57: {  	_ =	shalt  }
0x58: {  	_ =	shalt  }
0x59: {  	_ =	shalt  }
0x5a: {  	_ =	shalt  }
0x5b: {  	_ =	shalt  }
0x5c: {  	_ =	shalt  }
0x5d: {  	_ =	shalt  }
0x5e: {  	_ =	shalt  }
0x5f: {  	_ =	shalt  }
0x60: {  	_ =	shalt  }
0x61: {  	_ =	shalt  }
0x62: {  	_ =	shalt  }
0x63: {  	_ =	shalt  }
0x64: {  	_ =	shalt  }
0x65: {  	_ =	shalt  }
0x66: {  	_ =	shalt  }
0x67: {  	_ =	shalt  }
0x68: {  	_ =	shalt  }
0x69: {  	_ =	shalt  }
0x6a: {  	_ =	shalt  }
0x6b: {  	_ =	shalt  }
0x6c: {  	_ =	shalt  }
0x6d: {  	_ =	shalt  }
0x6e: {  	_ =	shalt  }
0x6f: {  	_ =	shalt  }
0x70: {  	_ =	shalt  }
0x71: {  	_ =	shalt  }
0x72: {  	_ =	shalt  }
0x73: {  	_ =	shalt  }
0x74: {  	_ =	shalt  }
0x75: {  	_ =	shalt  }
0x76: {  	_ =	shalt  }
0x77: {  	_ =	shalt  }
0x78: {  	_ =	shalt  }
0x79: {  	_ =	shalt  }
0x7a: {  	_ =	shalt  }
0x7b: {  	_ =	shalt  }
0x7c: {  	_ =	shalt  }
0x7d: {  	_ =	shalt  }
0x7e: {  	_ =	shalt  }
0x7f: {  	_ =	shalt  }
0x80: {  	_ =	shalt  }
0x81: {  	_ =	shalt  }
0x82: {  	_ =	shalt  }
0x83: {  	_ =	shalt  }
0x84: {  	_ =	shalt  }
0x85: {  	_ =	shalt  }
0x86: {  	_ =	shalt  }
0x87: {  	_ =	shalt  }
.Lfunc_end0:
.L_simem_size_0:
called_computation_lowered:
.L_overlay_start_0:
0x88: {  	s2 =	sld [smem:$0x3FD9]  }
0x89: {  	s3 =	sld [smem:$0x3FFE];
	_ =	sdelay $0x1  }
0x8a: {  	s1 =	srdreg.scid  }
0x8b: {  	s0 =	sand.u32 $0x1, s1  }
0x8c: {  	s15 =	sshll.u32 s0, $0xA;
	s2 =	sadd.s32 s3, s2  }
0x8d: {  	s2 =	sadd.s32 s2, s15  }
0x8e: {  	[smem:$0x3FC5] =	sst s2  }
0x8f: {  	_ = 	snop  }
0x90: {  	s2 =	sld [smem:$0x3FD0]  }
0x91: {  	s16 =	sld [smem:$0x3FC9]  }
0x92: {  	s4 =	sld [smem:$0x3FC8]  }
0x93: {  	s6 =	simm.s32 $0xA;
	s7 =	simm.s32 $0x10;
	s5 =	sld [smem:$0x3FC7]  }
0x94: {  	[smem:s7], [sflag:s6] =	dma.local [hbm:s2], $0x1  }
0x95: {  	_ =	swait.eq [sflag:s6], $0x1  }
0x96: {  	[sflag:s6] =	ssyncset.done $0x0  }
0x97: {  	s17 =	sld [smem:$0x10];
	[sflag:s6] =	ssyncadd.s32 $0xFFFFFFFF  }
0x98: {  	s18 =	sld [smem:$0x11];
	(tm) =	ssettm $0x1  }
0x99: {  	s19 =	sld [smem:$0x3FFB];
	_ =	sdelay $0x3  }
0x9a: {  	_ =	strace s19  }
0x9b: {  	s7 =	sld [smem:$0x3FFC];
	_ =	sdelay $0x3  }
0x9c: {  	_ =	strace s7  }
0x9d: {  	s7 =	sld [smem:$0x3FFD];
	_ =	sdelay $0x3  }
0x9e: {  	_ =	strace s7  }
0x9f: {  	_ =	strace $0x8FFFFFFF  }
0xa0: {  	s20 =	sld [smem:$0x3FDB];
	_ =	sdelay $0x1  }
0xa1: {  	s8 =	simm.s32 $_scs_section_size  }
0xa2: {  	s9 =	simm.s32 $_size__tile_overlayer_lowered;
	s10 =	simm.s32 $_tile_overlayer_lowered  }
0xa3: {  	s23 =	simm.s32 $0x1BFF;
	s22 =	sshll.u32 s10, $0x1;
	s7 =	sadd.s32 s8, s20  }
0xa4: {  	s11 =	simm.s32 $0x0;
	s21 =	sshll.u32 s9, $0x1;
	s9 =	sadd.s32 s22, s7  }
0xa5: {  	[timem:s11], [sflag:s23] =	dma.local [hbm:s9], s21  }
0xa6: {  	_ =	swait.ge [sflag:s23], s21  }
0xa7: {  	s8 =	ssub.s32 $0x0, s21;
	[sflag:s23] =	ssyncset.done $0x0  }
0xa8: {  	[sflag:s23] =	ssyncadd.s32 s8;
	_ =	sdelay $0x1  }
0xa9: {  	s24 =	simm.s32 $0x1B8B  }
0xaa: {  	_ =	swait.ge [sflag:s24], $0x1  }
0xab: {  	[sflag:s24] =	ssyncset.done $0x0  }
0xac: {  	s25 =	simm.s32 $0x1B8E;
	[sflag:s24] =	ssyncadd.s32 $0xFFFFFFFF  }
0xad: {  	s26 =	simm.s32 $execute0_lowered;
	[smem:$0x3FD2] =	sst s25  }
0xae: {  	s8 =	sshll.u32 s26, $0x1;
	_ =	strace $0x80000046;
	[dreg:$0x1] =	wrdreg $0xFFFFFFFF  }
0xaf: {  	s28 =	simm.s32 $_size_execute0_lowered;
	s7 =	sadd.s32 s7, s8;
	[dreg:$0x0] =	wrdreg $0x0  }
0xb0: {  	s8 =	sshll.u32 s28, $0x1;
	[dreg:$0x2] =	wrdreg s7  }
0xb1: {  	[dreg:$0x3] =	wrdreg s8  }
0xb2: {  	[dreg:$0x4] =	wrdreg $0xC0  }
0xb3: {  	_ =	task [dreg:s11], $0x5FFFF  }
0xb4: {  	[dreg:$0x1] =	wrdreg $0xFFFFFFFF  }
0xb5: {  	[dreg:$0x0] =	wrdreg $0x60  }
0xb6: {  	[dreg:$0x2] =	wrdreg s16  }
0xb7: {  	[dreg:$0x3] =	wrdreg s4  }
0xb8: {  	[dreg:$0x4] =	wrdreg s5  }
0xb9: {  	[dreg:$0x5] =	wrdreg s17  }
0xba: {  	[dreg:$0x6] =	wrdreg s18  }
0xbb: {  	[dreg:$0x7] =	wrdreg $0x9  }
0xbc: {  	_ =	task.clear_ibuf [dreg:s11], $0x8FFFF;
	_ =	strace $0x90000046  }
0xbd: {  	s29 =	simm.s32 $0x9;
	_ =	strace $0x80000048  }
0xbe: {  	_ =	swait.ge [sflag:s29], $0x1  }
0xbf: {  	[sflag:s29] =	ssyncadd.s32 $0xFFFFFFFF  }
0xc0: {  	_ =	strace $0x90000048  }
0xc1: {  	_ =	sfence  }
0xc2: {  	s30 =	sld [smem:$0x0];
	_ =	sdelay $0x2  }
0xc3: {  	s31 =	sshll.u32 s1, $0xD;
	s1 =	sshrl.u32 s1, $0x2  }
0xc4: {  	s3 =	sand.u32 $0x4000, s31;
	s1 =	sadd.s32 s1, s30  }
0xc5: {  	s0 =	sor.u32 s3, s0;
	s1 =	sshll.u32 s1, $0x11  }
0xc6: {  	s0 =	sor.u32 s1, s0  }
0xc7: {  	s0 =	sadd.s32 $0x8F2B, s0  }
0xc8: {  	[sflag:s0] =	ssyncadd.remote.s32 $0x1  }
0xc9: {  	_ =	sfence.sel $0xFFFF  }
0xca: {  	[dreg:$0x0] =	wrdreg $0xFFFFFFFF;
	(pc) =	sbr.abs _section_cstart, $3  }
0xcb: {  	[dreg:$0x1] =	wrdreg $0xFFFFFFFF  }
0xcc: {  	_ =	task.clear_ibuf [dreg:s11], $0x2FFFF;
	_ =	strace $0x9FFFFFFF  }
0xcd: {  	(tm) =	ssettm $0x7FFFFFFF  }
tec
execute0_lowered:
.L_overlay_start_1:
0x0: {  	(tag) =	ssettag $0x1  }
0x1: {  	s1 =	rddreg [dreg:$0x0]  }
0x2: {  	s3 =	rddreg [dreg:$0x1]  }
0x3: {  	s2 =	srdreg.scid;
	s4 =	rddreg [dreg:$0x2]  }
0x4: {  	s14 =	stileid.u32;
	s7 =	rddreg [dreg:$0x3]  }
0x5: {  	s9 =	rddreg [dreg:$0x4];
	s28 =	simm.s32 $0x100;
	s31 =	simm.s32 $0xD  }
0x6: {  	s30 =	simm.s32 $0xE;
	s29 =	simm.s32 $0xF;
	s25 =	simm.s32 $0x2  }
0x7: {  	s24 =	simm.s32 $0x5;
	s5 =	sand.u32 $0x1, s2;
	s26 =	sshll.u32 s14, $0x1  }
0x8: {  	p0 =	por $0x0, $0x0;
	s8 =	sshll.u32 s14, $0x2;
	s6 =	sor.u32 s5, s26  }
0x9: {  	s5 =	ssub.s32 $0x2, s5;
	s26 =	simm.s32 $0x10;
	s2 =	sshll.u32 s6, $0x8  }
0xa: {  	s6 =	sshll.u32 s6, $0xD;
	s19 =	sshrl.u32 s5, $0x1;
	s8 =	sor.u32 s8, s2  }
0xb: {  	s2 =	simm.s32 $0x0;
	s10 =	sadd.s32 s7, s6;
	s11 =	sadd.s32 s9, s6  }
0xc: {  	s12 =	sor.u32 $0x800, s6;
	s16 =	sor.u32 $0x1000, s6;
	s6 =	sor.u32 $0x1800, s6  }
0xd: {  	s5 =	ssub.s32 s5, s19;
	s19 =	simm.s32 $0x80;
	[smem:$0x7FF] =	sst s2  }
0xe: {  	s8 =	sand.u32 $0x730, s8;
	_ =	strace $0x80000047;
	[dreg:$0x9] =	wrdreg s10  }
0xf: {  	s13 =	sadd.s32 s7, s12;
	s15 =	sadd.s32 s9, s12;
	[dreg:$0xa] =	wrdreg s11  }
0x10: {  	s17 =	sadd.s32 s7, s16;
	s18 =	sadd.s32 s9, s16;
	[dreg:$0xb] =	wrdreg s13  }
0x11: {  	s20 =	sadd.s32 s7, s6;
	s21 =	sadd.s32 s9, s6;
	[dreg:$0xc] =	wrdreg s15  }
0x12: {  	s23 =	smax.u32 s5, $0x1;
	s7 =	simm.s32 $0x200;
	[dreg:$0xd] =	wrdreg s17  }
0x13: {  	s12 =	simm.s32 $0x1;
	s6 =	simm.s32 $0x7;
	[dreg:$0xe] =	wrdreg s18  }
0x14: {  	s5 =	simm.s32 $0xA;
	s16 =	simm.s32 $0x8;
	[dreg:$0xf] =	wrdreg s20  }
0x15: {  	s9 =	simm.s32 $0xC;
	s22 =	sadd.s32 s1, s8;
	[dreg:$0x10] =	wrdreg s21  }
0x16: {  	s20 =	simm.s32 $0x180;
	s17 =	simm.s32 $0x4200;
	p1 =	sne.s32 s23, $0x1  }
.Ltmp0:
0x17: {  	s18 =	simm.s32 $0x10200;
	s10 =	simm.s32 $0x4;
	(pc) =	sbr.rel @!p1 .LBB2_5-.Ltmp0, $4  }
0x18: {  	s15 =	sadd.s32 $0xFFFFFFFF, s23;
	s23 =	simm.s32 $0x3;
	s1 =	sadd.s32 $0x40, s22  }
0x19: {  	s21 =	simm.s32 $0x6;
	s0 =	sadd.s32 $0x80, s22;
	[dreg:$0x6] =	wrdreg s1  }
0x1a: {  	s13 =	simm.s32 $0xB;
	s8 =	sadd.s32 $0xC0, s22;
	[dreg:$0x7] =	wrdreg s0  }
0x1b: {  	s11 =	simm.s32 $0x9;
	[dreg:$0x8] =	wrdreg s8;
	s8 =	simm.s32 $0xC200  }
0x1c: {  	[tilespmem:s2], [sflag:$0xD] =	stream.linear.gather [hbm4b:s22+s2], $0x80, $0x38;
	[tilespmem:$0x18200] =	vst v63  }
0x1d: {  	s0 =	rddreg [dreg:$0x6]  }
0x1e: {  	[tilespmem:s19], [sflag:$0xE] =	stream.linear.gather [hbm4b:s0+s2], $0x80, $0x38;
	[tilespmem:$0x18200] =	vst v63  }
0x1f: {  	s1 =	rddreg [dreg:$0x7]  }
0x20: {  	[tilespmem:s28], [sflag:$0xF] =	stream.linear.gather [hbm4b:s1+s2], $0x80, $0x38;
	[tilespmem:$0x18200] =	vst v63  }
0x21: {  	s14 =	rddreg [dreg:$0x8]  }
0x22: {  	[tilespmem:s20], [sflag:$0x10] =	stream.linear.gather [hbm4b:s14+s2], $0x80, $0x38;
	[tilespmem:$0x18200] =	vst v63  }
0x23: {  	_ =	swait.ge [sflag:s31], $0x80  }
0x24: {  	[sflag:s31] =	ssyncset.done $0x0  }
0x25: {  	[sflag:s31] =	ssyncadd.s32 $0xFFFFFF80  }
0x26: {  	[tilespmem:s7], [sflag:$0x1] =	stream.indirect.gather [hbm4b:s3+s19], $0x80, s2, s19, $0xb8;
	[tilespmem:$0x18200] =	vst v63  }
0x27: {  	_ = 	snop  }
0x28: {  	[tilespmem:s8], [sflag:$0x4] =	stream.indirect.gather [hbm4b:s4+s19], $0x80, s2, s19, $0xb8;
	[tilespmem:$0x18200] =	vst v63  }
0x29: {  	_ =	swait.ge [sflag:s30], $0x80  }
0x2a: {  	[sflag:s30] =	ssyncset.done $0x0  }
0x2b: {  	[sflag:s30] =	ssyncadd.s32 $0xFFFFFF80  }
0x2c: {  	[tilespmem:s17], [sflag:$0x2] =	stream.indirect.gather [hbm4b:s3+s19], $0x80, s19, s19, $0xb8;
	[tilespmem:$0x18200] =	vst v63  }
0x2d: {  	_ = 	snop  }
0x2e: {  	[tilespmem:s18], [sflag:$0x5] =	stream.indirect.gather [hbm4b:s4+s19], $0x80, s19, s19, $0xb8;
	[tilespmem:$0x18200] =	vst v63  }
0x2f: {  	_ =	swait.ge [sflag:s29], $0x80  }
0x30: {  	[sflag:s29] =	ssyncset.done $0x0  }
0x31: {  	s14 =	simm.s32 $0x8200;
	[sflag:s29] =	ssyncadd.s32 $0xFFFFFF80  }
0x32: {  	[tilespmem:s14], [sflag:$0x3] =	stream.indirect.gather [hbm4b:s3+s19], $0x80, s28, s19, $0xb8;
	[tilespmem:$0x18200] =	vst v63  }
0x33: {  	s1 =	simm.s32 $0x14200  }
0x34: {  	[tilespmem:s1], [sflag:$0x6] =	stream.indirect.gather [hbm4b:s4+s19], $0x80, s28, s19, $0xb8;
	[tilespmem:$0x18200] =	vst v63  }
0x35: {  	_ =	swait.ge [sflag:s12], $0x4000  }
0x36: {  	[sflag:s12] =	ssyncset.done $0x0  }
0x37: {  	[sflag:s12] =	ssyncadd.s32 $0xFFFFC000  }
0x38: {  	_ =	swait.ge [sflag:s10], $0x4000  }
0x39: {  	[sflag:s10] =	ssyncset.done $0x0  }
0x3a: {  	s0 =	rddreg [dreg:$0x9];
	[sflag:s10] =	ssyncadd.s32 $0xFFFFC000  }
0x3b: {  	[hbm4b:s0+s2] =	stream.linear.scatter [tilespmem:s7], [sflag:$0x7], $0x4000, $0x38;
	[tilespmem:$0x18200] =	vst v63  }
0x3c: {  	s1 =	rddreg [dreg:$0xa]  }
0x3d: {  	[hbm4b:s1+s2] =	stream.linear.scatter [tilespmem:s8], [sflag:$0xA], $0x4000, $0x38;
	[tilespmem:$0x18200] =	vst v63  }
0x3e: {  	_ =	swait.ge [sflag:s6], $0x4000  }
0x3f: {  	[sflag:s6] =	ssyncset.done $0x0  }
0x40: {  	[sflag:s6] =	ssyncadd.s32 $0xFFFFC000  }
0x41: {  	_ =	swait.ge [sflag:s5], $0x4000  }
0x42: {  	[sflag:s5] =	ssyncset.done $0x0  }
0x43: {  	[sflag:s5] =	ssyncadd.s32 $0xFFFFC000  }
0x44: {  	_ =	swait.ge [sflag:s26], $0x80  }
0x45: {  	[sflag:s26] =	ssyncset.done $0x0  }
0x46: {  	[sflag:s26] =	ssyncadd.s32 $0xFFFFFF80  }
0x47: {  	[tilespmem:s7], [sflag:$0x1] =	stream.indirect.gather [hbm4b:s3+s19], $0x80, s20, s19, $0xb8;
	[tilespmem:$0x18200] =	vst v63  }
0x48: {  	_ = 	snop  }
0x49: {  	[tilespmem:s8], [sflag:$0x4] =	stream.indirect.gather [hbm4b:s4+s19], $0x80, s20, s19, $0xb8;
	[tilespmem:$0x18200] =	vst v63  }
0x4a: {  	_ =	swait.ge [sflag:s25], $0x4000  }
0x4b: {  	[sflag:s25] =	ssyncset.done $0x0  }
0x4c: {  	[sflag:s25] =	ssyncadd.s32 $0xFFFFC000  }
0x4d: {  	_ =	swait.ge [sflag:s24], $0x4000  }
0x4e: {  	[sflag:s24] =	ssyncset.done $0x0  }
0x4f: {  	s0 =	rddreg [dreg:$0xb];
	[sflag:s24] =	ssyncadd.s32 $0xFFFFC000  }
0x50: {  	[hbm4b:s0+s2] =	stream.linear.scatter [tilespmem:s17], [sflag:$0x8], $0x4000, $0x38;
	[tilespmem:$0x18200] =	vst v63  }
0x51: {  	s1 =	rddreg [dreg:$0xc]  }
0x52: {  	[hbm4b:s1+s2] =	stream.linear.scatter [tilespmem:s18], [sflag:$0xB], $0x4000, $0x38;
	[tilespmem:$0x18200] =	vst v63  }
0x53: {  	_ =	swait.ge [sflag:s23], $0x4000  }
0x54: {  	[sflag:s23] =	ssyncset.done $0x0  }
0x55: {  	[sflag:s23] =	ssyncadd.s32 $0xFFFFC000  }
0x56: {  	_ =	swait.ge [sflag:s21], $0x4000  }
0x57: {  	[sflag:s21] =	ssyncset.done $0x0  }
0x58: {  	s0 =	rddreg [dreg:$0xd];
	[sflag:s21] =	ssyncadd.s32 $0xFFFFC000  }
0x59: {  	[hbm4b:s0+s2] =	stream.linear.scatter [tilespmem:s14], [sflag:$0x9], $0x4000, $0x38;
	[tilespmem:$0x18200] =	vst v63  }
0x5a: {  	s1 =	rddreg [dreg:$0xe];
	s14 =	simm.s32 $0x14200  }
0x5b: {  	[hbm4b:s1+s2] =	stream.linear.scatter [tilespmem:s14], [sflag:$0xC], $0x4000, $0x38;
	[tilespmem:$0x18200] =	vst v63  }
0x5c: {  	_ =	swait.ge [sflag:s12], $0x4000  }
0x5d: {  	[sflag:s12] =	ssyncset.done $0x0  }
0x5e: {  	[sflag:s12] =	ssyncadd.s32 $0xFFFFC000  }
0x5f: {  	_ =	swait.ge [sflag:s10], $0x4000  }
0x60: {  	[sflag:s10] =	ssyncset.done $0x0  }
0x61: {  	s1 =	rddreg [dreg:$0xf];
	[sflag:s10] =	ssyncadd.s32 $0xFFFFC000  }
0x62: {  	[hbm4b:s1+s2] =	stream.linear.scatter [tilespmem:s7], [sflag:$0x7], $0x4000, $0x38;
	[tilespmem:$0x18200] =	vst v63  }
0x63: {  	s14 =	rddreg [dreg:$0x10]  }
0x64: {  	[hbm4b:s14+s2] =	stream.linear.scatter [tilespmem:s8], [sflag:$0xA], $0x4000, $0x38;
	[tilespmem:$0x18200] =	vst v63  }
0x65: {  	_ =	swait.ge [sflag:s16], $0x4000  }
0x66: {  	[sflag:s16] =	ssyncset.done $0x0  }
0x67: {  	[sflag:s16] =	ssyncadd.s32 $0xFFFFC000  }
0x68: {  	_ =	swait.ge [sflag:s13], $0x4000  }
0x69: {  	[sflag:s13] =	ssyncset.done $0x0  }
0x6a: {  	[sflag:s13] =	ssyncadd.s32 $0xFFFFC000  }
0x6b: {  	_ =	swait.ge [sflag:s11], $0x4000  }
0x6c: {  	[sflag:s11] =	ssyncset.done $0x0  }
0x6d: {  	[sflag:s11] =	ssyncadd.s32 $0xFFFFC000  }
0x6e: {  	_ =	swait.ge [sflag:s9], $0x4000  }
0x6f: {  	[sflag:s9] =	ssyncset.done $0x0  }
0x70: {  	p1 =	sne.s32 s15, $0x1;
	[sflag:s9] =	ssyncadd.s32 $0xFFFFC000  }
.Ltmp1:
0x71: {  	_ =	swait.ge [sflag:s6], $0x4000;
	(pc) =	sbr.rel @!p1 .LBB2_6-.Ltmp1, $4  }
0x72: {  	[sflag:s6] =	ssyncset.done $0x0  }
0x73: {  	[sflag:s6] =	ssyncadd.s32 $0xFFFFC000  }
0x74: {  	_ =	swait.ge [sflag:s5], $0x4000  }
0x75: {  	p0 =	por $0x1, $0x1;
	s1 =	sadd.s32 $0xFFFFFFFF, s15;
	[sflag:s5] =	ssyncset.done $0x0  }
0x76: {  	s15 =	simm.s32 $0x8200  }
.LBB2_3:
0x77: {  	[sflag:s5] =	ssyncadd.s32 $0xFFFFC000  }
0x78: {  	[tilespmem:s2], [sflag:$0xD] =	stream.linear.gather [hbm4b:s22+s2], $0x80, $0x38;
	[tilespmem:$0x18200] =	vst v63  }
0x79: {  	s0 =	rddreg [dreg:$0x6]  }
0x7a: {  	[tilespmem:s19], [sflag:$0xE] =	stream.linear.gather [hbm4b:s0+s2], $0x80, $0x38;
	[tilespmem:$0x18200] =	vst v63  }
0x7b: {  	s14 =	rddreg [dreg:$0x7]  }
0x7c: {  	[tilespmem:s28], [sflag:$0xF] =	stream.linear.gather [hbm4b:s14+s2], $0x80, $0x38;
	[tilespmem:$0x18200] =	vst v63  }
0x7d: {  	s0 =	rddreg [dreg:$0x8]  }
0x7e: {  	[tilespmem:s20], [sflag:$0x10] =	stream.linear.gather [hbm4b:s0+s2], $0x80, $0x38;
	[tilespmem:$0x18200] =	vst v63  }
0x7f: {  	_ =	swait.ge [sflag:s31], $0x80  }
0x80: {  	[sflag:s31] =	ssyncset.done $0x0  }
0x81: {  	[sflag:s31] =	ssyncadd.s32 $0xFFFFFF80  }
0x82: {  	[tilespmem:s7], [sflag:$0x1] =	stream.indirect.gather [hbm4b:s3+s19], $0x80, s2, s19, $0xb8;
	[tilespmem:$0x18200] =	vst v63  }
0x83: {  	_ = 	snop  }
0x84: {  	[tilespmem:s8], [sflag:$0x4] =	stream.indirect.gather [hbm4b:s4+s19], $0x80, s2, s19, $0xb8;
	[tilespmem:$0x18200] =	vst v63  }
0x85: {  	_ =	swait.ge [sflag:s30], $0x80  }
0x86: {  	[sflag:s30] =	ssyncset.done $0x0  }
0x87: {  	[sflag:s30] =	ssyncadd.s32 $0xFFFFFF80  }
0x88: {  	[tilespmem:s17], [sflag:$0x2] =	stream.indirect.gather [hbm4b:s3+s19], $0x80, s19, s19, $0xb8;
	[tilespmem:$0x18200] =	vst v63  }
0x89: {  	_ = 	snop  }
0x8a: {  	[tilespmem:s18], [sflag:$0x5] =	stream.indirect.gather [hbm4b:s4+s19], $0x80, s19, s19, $0xb8;
	[tilespmem:$0x18200] =	vst v63  }
0x8b: {  	_ =	swait.ge [sflag:s29], $0x80  }
0x8c: {  	[sflag:s29] =	ssyncset.done $0x0  }
0x8d: {  	[sflag:s29] =	ssyncadd.s32 $0xFFFFFF80  }
0x8e: {  	[tilespmem:s15], [sflag:$0x3] =	stream.indirect.gather [hbm4b:s3+s19], $0x80, s28, s19, $0xb8;
	[tilespmem:$0x18200] =	vst v63  }
0x8f: {  	s14 =	simm.s32 $0x14200  }
0x90: {  	[tilespmem:s14], [sflag:$0x6] =	stream.indirect.gather [hbm4b:s4+s19], $0x80, s28, s19, $0xb8;
	[tilespmem:$0x18200] =	vst v63  }
0x91: {  	_ =	swait.ge [sflag:s12], $0x4000  }
0x92: {  	[sflag:s12] =	ssyncset.done $0x0  }
0x93: {  	[sflag:s12] =	ssyncadd.s32 $0xFFFFC000  }
0x94: {  	_ =	swait.ge [sflag:s10], $0x4000  }
0x95: {  	[sflag:s10] =	ssyncset.done $0x0  }
0x96: {  	s0 =	rddreg [dreg:$0x9];
	[sflag:s10] =	ssyncadd.s32 $0xFFFFC000  }
0x97: {  	[hbm4b:s0+s2] =	stream.linear.scatter [tilespmem:s7], [sflag:$0x7], $0x4000, $0x38;
	[tilespmem:$0x18200] =	vst v63  }
0x98: {  	s14 =	rddreg [dreg:$0xa]  }
0x99: {  	[hbm4b:s14+s2] =	stream.linear.scatter [tilespmem:s8], [sflag:$0xA], $0x4000, $0x38;
	[tilespmem:$0x18200] =	vst v63  }
0x9a: {  	_ =	swait.ge [sflag:s6], $0x4000  }
0x9b: {  	[sflag:s6] =	ssyncset.done $0x0  }
0x9c: {  	[sflag:s6] =	ssyncadd.s32 $0xFFFFC000  }
0x9d: {  	_ =	swait.ge [sflag:s5], $0x4000  }
0x9e: {  	[sflag:s5] =	ssyncset.done $0x0  }
0x9f: {  	[sflag:s5] =	ssyncadd.s32 $0xFFFFC000  }
0xa0: {  	_ =	swait.ge [sflag:s26], $0x80  }
0xa1: {  	[sflag:s26] =	ssyncset.done $0x0  }
0xa2: {  	[sflag:s26] =	ssyncadd.s32 $0xFFFFFF80  }
0xa3: {  	[tilespmem:s7], [sflag:$0x1] =	stream.indirect.gather [hbm4b:s3+s19], $0x80, s20, s19, $0xb8;
	[tilespmem:$0x18200] =	vst v63  }
0xa4: {  	_ = 	snop  }
0xa5: {  	[tilespmem:s8], [sflag:$0x4] =	stream.indirect.gather [hbm4b:s4+s19], $0x80, s20, s19, $0xb8;
	[tilespmem:$0x18200] =	vst v63  }
0xa6: {  	_ =	swait.ge [sflag:s25], $0x4000  }
0xa7: {  	[sflag:s25] =	ssyncset.done $0x0  }
0xa8: {  	[sflag:s25] =	ssyncadd.s32 $0xFFFFC000  }
0xa9: {  	_ =	swait.ge [sflag:s24], $0x4000  }
0xaa: {  	[sflag:s24] =	ssyncset.done $0x0  }
0xab: {  	s0 =	rddreg [dreg:$0xb];
	[sflag:s24] =	ssyncadd.s32 $0xFFFFC000  }
0xac: {  	[hbm4b:s0+s2] =	stream.linear.scatter [tilespmem:s17], [sflag:$0x8], $0x4000, $0x38;
	[tilespmem:$0x18200] =	vst v63  }
0xad: {  	s14 =	rddreg [dreg:$0xc]  }
0xae: {  	[hbm4b:s14+s2] =	stream.linear.scatter [tilespmem:s18], [sflag:$0xB], $0x4000, $0x38;
	[tilespmem:$0x18200] =	vst v63  }
0xaf: {  	_ =	swait.ge [sflag:s23], $0x4000  }
0xb0: {  	[sflag:s23] =	ssyncset.done $0x0  }
0xb1: {  	[sflag:s23] =	ssyncadd.s32 $0xFFFFC000  }
0xb2: {  	_ =	swait.ge [sflag:s21], $0x4000  }
0xb3: {  	[sflag:s21] =	ssyncset.done $0x0  }
0xb4: {  	s0 =	rddreg [dreg:$0xd];
	[sflag:s21] =	ssyncadd.s32 $0xFFFFC000  }
0xb5: {  	[hbm4b:s0+s2] =	stream.linear.scatter [tilespmem:s15], [sflag:$0x9], $0x4000, $0x38;
	[tilespmem:$0x18200] =	vst v63  }
0xb6: {  	s14 =	rddreg [dreg:$0xe];
	s0 =	simm.s32 $0x14200  }
0xb7: {  	[hbm4b:s14+s2] =	stream.linear.scatter [tilespmem:s0], [sflag:$0xC], $0x4000, $0x38;
	[tilespmem:$0x18200] =	vst v63  }
0xb8: {  	_ =	swait.ge [sflag:s12], $0x4000  }
0xb9: {  	[sflag:s12] =	ssyncset.done $0x0  }
0xba: {  	[sflag:s12] =	ssyncadd.s32 $0xFFFFC000  }
0xbb: {  	_ =	swait.ge [sflag:s10], $0x4000  }
0xbc: {  	[sflag:s10] =	ssyncset.done $0x0  }
0xbd: {  	s0 =	rddreg [dreg:$0xf];
	[sflag:s10] =	ssyncadd.s32 $0xFFFFC000  }
0xbe: {  	[hbm4b:s0+s2] =	stream.linear.scatter [tilespmem:s7], [sflag:$0x7], $0x4000, $0x38;
	[tilespmem:$0x18200] =	vst v63  }
0xbf: {  	s14 =	rddreg [dreg:$0x10]  }
0xc0: {  	[hbm4b:s14+s2] =	stream.linear.scatter [tilespmem:s8], [sflag:$0xA], $0x4000, $0x38;
	[tilespmem:$0x18200] =	vst v63  }
0xc1: {  	_ =	swait.ge [sflag:s16], $0x4000  }
0xc2: {  	[sflag:s16] =	ssyncset.done $0x0  }
0xc3: {  	[sflag:s16] =	ssyncadd.s32 $0xFFFFC000  }
0xc4: {  	_ =	swait.ge [sflag:s13], $0x4000  }
0xc5: {  	[sflag:s13] =	ssyncset.done $0x0  }
0xc6: {  	[sflag:s13] =	ssyncadd.s32 $0xFFFFC000  }
0xc7: {  	_ =	swait.ge [sflag:s11], $0x4000  }
0xc8: {  	[sflag:s11] =	ssyncset.done $0x0  }
0xc9: {  	[sflag:s11] =	ssyncadd.s32 $0xFFFFC000  }
0xca: {  	_ =	swait.ge [sflag:s9], $0x4000  }
0xcb: {  	[sflag:s9] =	ssyncset.done $0x0  }
0xcc: {  	p1 =	sne.s32 s1, $0x1;
	[sflag:s9] =	ssyncadd.s32 $0xFFFFC000  }
.Ltmp2:
0xcd: {  	_ =	swait.ge [sflag:s6], $0x4000;
	(pc) =	sbr.rel @p1 .LBB2_3-.Ltmp2, $4  }
0xce: {  	[sflag:s6] =	ssyncset.done $0x0  }
0xcf: {  	[sflag:s6] =	ssyncadd.s32 $0xFFFFC000  }
0xd0: {  	_ =	swait.ge [sflag:s5], $0x4000  }
0xd1: {  	s1 =	sadd.s32 $0xFFFFFFFF, s1;
	[sflag:s5] =	ssyncset.done $0x0  }
0xd2: {  	s14 =	stileid.u32  }
.LBB2_5:
0xd3: {  	[sflag:s5] =	ssyncadd.s32 @p0 $0xFFFFC000  }
0xd4: {  	[tilespmem:s2], [sflag:$0xD] =	stream.linear.gather [hbm4b:s22+s2], $0x80, $0x38;
	[tilespmem:$0x18200] =	vst v63  }
0xd5: {  	s0 =	rddreg [dreg:$0x6]  }
0xd6: {  	[tilespmem:s19], [sflag:$0xE] =	stream.linear.gather [hbm4b:s0+s2], $0x80, $0x38;
	[tilespmem:$0x18200] =	vst v63  }
0xd7: {  	s1 =	rddreg [dreg:$0x7]  }
0xd8: {  	[tilespmem:s28], [sflag:$0xF] =	stream.linear.gather [hbm4b:s1+s2], $0x80, $0x38;
	[tilespmem:$0x18200] =	vst v63  }
0xd9: {  	s22 =	rddreg [dreg:$0x8]  }
0xda: {  	[tilespmem:s20], [sflag:$0x10] =	stream.linear.gather [hbm4b:s22+s2], $0x80, $0x38;
	[tilespmem:$0x18200] =	vst v63  }
0xdb: {  	_ =	swait.ge [sflag:s31], $0x80  }
0xdc: {  	[sflag:s31] =	ssyncset.done $0x0  }
0xdd: {  	[sflag:s31] =	ssyncadd.s32 $0xFFFFFF80  }
0xde: {  	[tilespmem:s7], [sflag:$0x1] =	stream.indirect.gather [hbm4b:s3+s19], $0x80, s2, s19, $0xb8;
	[tilespmem:$0x18200] =	vst v63  }
0xdf: {  	_ = 	snop  }
0xe0: {  	[tilespmem:s8], [sflag:$0x4] =	stream.indirect.gather [hbm4b:s4+s19], $0x80, s2, s19, $0xb8;
	[tilespmem:$0x18200] =	vst v63  }
0xe1: {  	_ =	swait.ge [sflag:s30], $0x80  }
0xe2: {  	[sflag:s30] =	ssyncset.done $0x0  }
0xe3: {  	[sflag:s30] =	ssyncadd.s32 $0xFFFFFF80  }
0xe4: {  	[tilespmem:s17], [sflag:$0x2] =	stream.indirect.gather [hbm4b:s3+s19], $0x80, s19, s19, $0xb8;
	[tilespmem:$0x18200] =	vst v63  }
0xe5: {  	_ = 	snop  }
0xe6: {  	[tilespmem:s18], [sflag:$0x5] =	stream.indirect.gather [hbm4b:s4+s19], $0x80, s19, s19, $0xb8;
	[tilespmem:$0x18200] =	vst v63  }
0xe7: {  	_ =	swait.ge [sflag:s29], $0x80  }
0xe8: {  	[sflag:s29] =	ssyncset.done $0x0  }
0xe9: {  	s15 =	simm.s32 $0x8200;
	[sflag:s29] =	ssyncadd.s32 $0xFFFFFF80  }
0xea: {  	[tilespmem:s15], [sflag:$0x3] =	stream.indirect.gather [hbm4b:s3+s19], $0x80, s28, s19, $0xb8;
	[tilespmem:$0x18200] =	vst v63  }
0xeb: {  	s22 =	simm.s32 $0x14200  }
0xec: {  	[tilespmem:s22], [sflag:$0x6] =	stream.indirect.gather [hbm4b:s4+s19], $0x80, s28, s19, $0xb8;
	[tilespmem:$0x18200] =	vst v63  }
0xed: {  	_ =	swait.ge [sflag:s12], $0x4000  }
0xee: {  	[sflag:s12] =	ssyncset.done $0x0  }
0xef: {  	[sflag:s12] =	ssyncadd.s32 $0xFFFFC000  }
0xf0: {  	_ =	swait.ge [sflag:s10], $0x4000  }
0xf1: {  	[sflag:s10] =	ssyncset.done $0x0  }
0xf2: {  	s30 =	rddreg [dreg:$0x9];
	[sflag:s10] =	ssyncadd.s32 $0xFFFFC000  }
0xf3: {  	[hbm4b:s30+s2] =	stream.linear.scatter [tilespmem:s7], [sflag:$0x7], $0x4000, $0x38;
	[tilespmem:$0x18200] =	vst v63  }
0xf4: {  	s31 =	rddreg [dreg:$0xa]  }
0xf5: {  	[hbm4b:s31+s2] =	stream.linear.scatter [tilespmem:s8], [sflag:$0xA], $0x4000, $0x38;
	[tilespmem:$0x18200] =	vst v63  }
0xf6: {  	_ =	swait.ge [sflag:s6], $0x4000  }
0xf7: {  	[sflag:s6] =	ssyncset.done $0x0  }
0xf8: {  	[sflag:s6] =	ssyncadd.s32 $0xFFFFC000  }
0xf9: {  	_ =	swait.ge [sflag:s5], $0x4000  }
0xfa: {  	[sflag:s5] =	ssyncset.done $0x0  }
0xfb: {  	[sflag:s5] =	ssyncadd.s32 $0xFFFFC000  }
0xfc: {  	_ =	swait.ge [sflag:s26], $0x80  }
0xfd: {  	[sflag:s26] =	ssyncset.done $0x0  }
0xfe: {  	[sflag:s26] =	ssyncadd.s32 $0xFFFFFF80  }
0xff: {  	[tilespmem:s7], [sflag:$0x1] =	stream.indirect.gather [hbm4b:s3+s19], $0x80, s20, s19, $0xb8;
	[tilespmem:$0x18200] =	vst v63  }
0x100: {  	_ = 	snop  }
0x101: {  	[tilespmem:s8], [sflag:$0x4] =	stream.indirect.gather [hbm4b:s4+s19], $0x80, s20, s19, $0xb8;
	[tilespmem:$0x18200] =	vst v63  }
0x102: {  	_ =	swait.ge [sflag:s25], $0x4000  }
0x103: {  	[sflag:s25] =	ssyncset.done $0x0  }
0x104: {  	[sflag:s25] =	ssyncadd.s32 $0xFFFFC000  }
0x105: {  	_ =	swait.ge [sflag:s24], $0x4000  }
0x106: {  	[sflag:s24] =	ssyncset.done $0x0  }
0x107: {  	s25 =	rddreg [dreg:$0xb];
	[sflag:s24] =	ssyncadd.s32 $0xFFFFC000  }
0x108: {  	[hbm4b:s25+s2] =	stream.linear.scatter [tilespmem:s17], [sflag:$0x8], $0x4000, $0x38;
	[tilespmem:$0x18200] =	vst v63  }
0x109: {  	s26 =	rddreg [dreg:$0xc]  }
0x10a: {  	[hbm4b:s26+s2] =	stream.linear.scatter [tilespmem:s18], [sflag:$0xB], $0x4000, $0x38;
	[tilespmem:$0x18200] =	vst v63  }
0x10b: {  	_ =	swait.ge [sflag:s23], $0x4000  }
0x10c: {  	[sflag:s23] =	ssyncset.done $0x0  }
0x10d: {  	[sflag:s23] =	ssyncadd.s32 $0xFFFFC000  }
0x10e: {  	_ =	swait.ge [sflag:s21], $0x4000  }
0x10f: {  	[sflag:s21] =	ssyncset.done $0x0  }
0x110: {  	s28 =	rddreg [dreg:$0xd];
	[sflag:s21] =	ssyncadd.s32 $0xFFFFC000  }
0x111: {  	[hbm4b:s28+s2] =	stream.linear.scatter [tilespmem:s15], [sflag:$0x9], $0x4000, $0x38;
	[tilespmem:$0x18200] =	vst v63  }
0x112: {  	s29 =	rddreg [dreg:$0xe]  }
0x113: {  	[hbm4b:s29+s2] =	stream.linear.scatter [tilespmem:s22], [sflag:$0xC], $0x4000, $0x38;
	[tilespmem:$0x18200] =	vst v63  }
0x114: {  	_ =	swait.ge [sflag:s12], $0x4000  }
0x115: {  	[sflag:s12] =	ssyncset.done $0x0  }
0x116: {  	[sflag:s12] =	ssyncadd.s32 $0xFFFFC000  }
0x117: {  	_ =	swait.ge [sflag:s10], $0x4000  }
0x118: {  	[sflag:s10] =	ssyncset.done $0x0  }
0x119: {  	s30 =	rddreg [dreg:$0xf];
	[sflag:s10] =	ssyncadd.s32 $0xFFFFC000  }
0x11a: {  	[hbm4b:s30+s2] =	stream.linear.scatter [tilespmem:s7], [sflag:$0x7], $0x4000, $0x38;
	[tilespmem:$0x18200] =	vst v63  }
0x11b: {  	s31 =	rddreg [dreg:$0x10]  }
0x11c: {  	[hbm4b:s31+s2] =	stream.linear.scatter [tilespmem:s8], [sflag:$0xA], $0x4000, $0x38;
	[tilespmem:$0x18200] =	vst v63  }
0x11d: {  	_ =	swait.ge [sflag:s16], $0x4000  }
0x11e: {  	[sflag:s16] =	ssyncset.done $0x0  }
0x11f: {  	[sflag:s16] =	ssyncadd.s32 $0xFFFFC000  }
0x120: {  	_ =	swait.ge [sflag:s13], $0x4000  }
0x121: {  	[sflag:s13] =	ssyncset.done $0x0  }
0x122: {  	[sflag:s13] =	ssyncadd.s32 $0xFFFFC000  }
0x123: {  	_ =	swait.ge [sflag:s11], $0x4000  }
0x124: {  	[sflag:s11] =	ssyncset.done $0x0  }
0x125: {  	[sflag:s11] =	ssyncadd.s32 $0xFFFFC000  }
0x126: {  	_ =	swait.ge [sflag:s9], $0x4000  }
0x127: {  	[sflag:s9] =	ssyncset.done $0x0  }
0x128: {  	[sflag:s9] =	ssyncadd.s32 $0xFFFFC000  }
0x129: {  	_ =	swait.ge [sflag:s6], $0x4000  }
0x12a: {  	[sflag:s6] =	ssyncset.done $0x0  }
0x12b: {  	[sflag:s6] =	ssyncadd.s32 $0xFFFFC000  }
0x12c: {  	_ =	swait.ge [sflag:s5], $0x4000  }
0x12d: {  	[sflag:s5] =	ssyncset.done $0x0  }
0x12e: {  	[sflag:s5] =	ssyncadd.s32 $0xFFFFC000  }
0x12f: {  	_ =	sfence.sel $0x180000  }
0x130: {  	[bflag:$0x0] =	sbarrier.arrive $0xFFFF  }
0x131: {  	_ =	strace $0x90000047  }
0x132: {  	[bflag:$0x2] =	sbarrier.arrive $0xFFFF  }
0x133: {  	p0 =	sne.s32 s14, $0x0;
	s0 =	rddreg [dreg:$0x5]  }
0x134: {  	s0 =	sadd.s32 @!p0 $0x100000, s0  }
0x135: {  	[sflag:s0] =	ssyncadd.tile.s32 @!p0 $0x1;
	_ =	shalt  }
.LBB2_6:
.Ltmp3:
0x136: {  	(pc) =	sbr.rel .LBB2_5-.Ltmp3, $2  }
0x137: {  	_ =	sdelay $0x2  }
0x138: {  	s14 =	stileid.u32  }
.Lfunc_end2:
_tile_overlayer_lowered:
.L_overlay_start_2:
0x139: {  	(tag) =	ssettag $0x2  }
0x13a: {  	s0 =	rddreg [dreg:$0x0];
	s2 =	stileid.u32  }
0x13b: {  	s1 =	rddreg [dreg:$0x1];
	p0 =	sne.s32 s2, $0x0  }
0x13c: {  	s3 =	rddreg [dreg:$0x2];
	[bflag:$0x3] =	sbarrier.arrive $0xFFFF;
	s2 =	simm.s32 @!p0 $0x1C11  }
0x13d: {  	[timem:s3], [sflag:s2] =	dma.local @!p0 [hbm:s0], s1  }
0x13e: {  	s0 =	simm.s32 @!p0 $0x11  }
0x13f: {  	_ =	swait.ge @!p0 [sflag:s0], s1  }
0x140: {  	s1 =	ssub.s32 @!p0 $0x0, s1;
	[sflag:s0] =	ssyncset.done @!p0 $0x0  }
0x141: {  	[sflag:s0] =	ssyncadd.s32 @!p0 s1  }
0x142: {  	[bflag:$0x3] =	sbarrier.arrive $0xFFFF  }
0x143: {  	_ =	shalt  }

</sc_bundles>
